<compile_context>
chip_gen: v7x
topology: tpu7x:2x2x1
jax: 0.10.2.dev20260603
libtpu: 0.0.44.dev20260713+nightly
codegen_flags: <defaults>
</compile_context>

<pallas_src>
import functools

import jax
import jax.numpy as jnp
from jax import lax
from jax.experimental import pallas as pl
from jax.experimental.pallas import tpu as pltpu
from jax.experimental.pallas import tpu_sc as plsc

VOCAB = 100000
EMBED_DIM = 100
EMBED_PAD = 128
HIDDEN_DIM = 1024
OUT_DIM = 4
BATCH = 4096
HIST = 50

NUM_CORES = 2
NUM_SUBCORES = 16
NTILES = NUM_CORES * NUM_SUBCORES
SAMP_PER_SC = BATCH // NUM_CORES
SAMP_PER_TILE = BATCH // NTILES
CHUNK = 64
NCHUNK = SAMP_PER_TILE * HIST // CHUNK
NH = SAMP_PER_TILE // CHUNK


def _sc_pool(emb, idx3, oidx3, zrows):
    mesh = plsc.VectorSubcoreMesh(core_axis_name="c", subcore_axis_name="s")

    nbuf = 10

    @functools.partial(
        pl.kernel,
        mesh=mesh,
        out_type=jax.ShapeDtypeStruct((BATCH, EMBED_PAD), jnp.float32),
        scratch_types=(
            [pltpu.VMEM((NCHUNK, CHUNK), jnp.int32)]
            + [pltpu.VMEM((NH, CHUNK), jnp.int32)]
            + [pltpu.VMEM((CHUNK, EMBED_PAD), jnp.float32)] * nbuf
            + [pltpu.SemaphoreType.DMA] * (2 * nbuf)
            + [pltpu.VMEM_SHARED((SAMP_PER_SC, EMBED_PAD), jnp.float32)]
        ),
    )
    def k(emb_hbm, idx_hbm, oidx_hbm, z_hbm, out_hbm,
          idx_v, oidx_v, *rest):
        rows = list(rest[:nbuf])
        gsem = list(rest[nbuf:2 * nbuf])
        ssem = list(rest[2 * nbuf:3 * nbuf])
        pooled_sh = rest[3 * nbuf]
        c = lax.axis_index("c")
        s = lax.axis_index("s")
        t = c * NUM_SUBCORES + s
        pltpu.sync_copy(idx_hbm.at[t], idx_v)
        pltpu.sync_copy(oidx_hbm.at[t], oidx_v)
        pltpu.sync_copy(z_hbm.at[pl.ds(t * SAMP_PER_TILE, SAMP_PER_TILE)],
                        pooled_sh.at[pl.ds(s * SAMP_PER_TILE, SAMP_PER_TILE)])

        for b in range(nbuf):
            pltpu.async_copy(emb_hbm.at[idx_v.at[b]], rows[b], gsem[b])

        @pl.loop(0, (NCHUNK - nbuf) // nbuf)
        def _(g):
            j0 = g * nbuf
            for b in range(nbuf):
                j = j0 + b
                pltpu.make_async_copy(emb_hbm.at[idx_v.at[j]], rows[b], gsem[b]).wait()
                if b >= NH:
                    pltpu.make_async_copy(rows[b - NH],
                                          pooled_sh.at[oidx_v.at[b % NH]],
                                          ssem[b - NH]).wait()
                    pltpu.async_copy(emb_hbm.at[idx_v.at[j0 + b - NH + nbuf]],
                                     rows[b - NH], gsem[b - NH])
                pltpu.async_copy(rows[b], pooled_sh.at[oidx_v.at[b % NH]],
                                 ssem[b], add=True)

            for b in range(nbuf - NH, nbuf):
                pltpu.make_async_copy(rows[b], pooled_sh.at[oidx_v.at[b % NH]],
                                      ssem[b]).wait()
                pltpu.async_copy(emb_hbm.at[idx_v.at[j0 + b + nbuf]], rows[b], gsem[b])

        for b in range(nbuf):
            j = NCHUNK - nbuf + b
            pltpu.make_async_copy(emb_hbm.at[idx_v.at[j]], rows[b], gsem[b]).wait()
            if b >= NH:
                pltpu.make_async_copy(rows[b - NH],
                                      pooled_sh.at[oidx_v.at[b % NH]],
                                      ssem[b - NH]).wait()
            pltpu.async_copy(rows[b], pooled_sh.at[oidx_v.at[b % NH]],
                             ssem[b], add=True)
        for b in range(nbuf - NH, nbuf):
            pltpu.make_async_copy(rows[b], pooled_sh.at[oidx_v.at[b % NH]],
                                  ssem[b]).wait()

        pltpu.sync_copy(pooled_sh.at[pl.ds(s * SAMP_PER_TILE, SAMP_PER_TILE)],
                        out_hbm.at[pl.ds(t * SAMP_PER_TILE, SAMP_PER_TILE)])

    return k(emb, idx3, oidx3, zrows)


_PAD_ROWS = 10000


def _tc_pad(emb):
    def body(x_ref, o_ref):
        o_ref[...] = jnp.pad(x_ref[...], ((0, 0), (0, EMBED_PAD - EMBED_DIM)))

    return pl.pallas_call(
        body,
        grid=(VOCAB // _PAD_ROWS,),
        in_specs=[pl.BlockSpec((_PAD_ROWS, EMBED_DIM), lambda i: (i, 0))],
        out_specs=pl.BlockSpec((_PAD_ROWS, EMBED_PAD), lambda i: (i, 0)),
        out_shape=jax.ShapeDtypeStruct((VOCAB, EMBED_PAD), jnp.float32),
    )(emb)


_BB = 512


def _tc_mlp(pooled, W1, b1, W2, b2):
    def body(p_ref, w1_ref, b1_ref, w2_ref, b2_ref, o_ref):
        h = jnp.dot(p_ref[...], w1_ref[...],
                    preferred_element_type=jnp.float32)
        h = jax.nn.sigmoid(h + b1_ref[...])
        o = jnp.dot(h, w2_ref[...],
                    preferred_element_type=jnp.float32)
        o_ref[...] = o + b2_ref[...]

    return pl.pallas_call(
        body,
        grid=(BATCH // _BB,),
        in_specs=[
            pl.BlockSpec((_BB, EMBED_PAD), lambda i: (i, 0)),
            pl.BlockSpec((EMBED_PAD, HIDDEN_DIM), lambda i: (0, 0)),
            pl.BlockSpec((1, HIDDEN_DIM), lambda i: (0, 0)),
            pl.BlockSpec((HIDDEN_DIM, OUT_DIM), lambda i: (0, 0)),
            pl.BlockSpec((1, OUT_DIM), lambda i: (0, 0)),
        ],
        out_specs=pl.BlockSpec((_BB, OUT_DIM), lambda i: (i, 0)),
        out_shape=jax.ShapeDtypeStruct((BATCH, OUT_DIM), jnp.float32),
    )(pooled, W1, b1.reshape(1, HIDDEN_DIM), W2, b2.reshape(1, OUT_DIM))


def kernel(x, emb, W1, b1, W2, b2):
    idx3 = (
        x.reshape(NTILES, NH, CHUNK, HIST)
        .transpose(0, 3, 1, 2)
        .reshape(NTILES, NCHUNK, CHUNK)
    )
    oidx3 = (
        (jnp.arange(NTILES, dtype=jnp.int32)[:, None] % NUM_SUBCORES)
        * SAMP_PER_TILE
        + jnp.arange(SAMP_PER_TILE, dtype=jnp.int32)[None, :]
    ).reshape(NTILES, NH, CHUNK)
    zrows = jnp.zeros((BATCH, EMBED_PAD), jnp.float32)
    W1p = jnp.pad(W1, ((0, EMBED_PAD - EMBED_DIM), (0, 0)))
    embp = _tc_pad(emb)
    pooled = _sc_pool(embp, idx3, oidx3, zrows)
    return _tc_mlp(pooled, W1p, b1, W2, b2)

# --- scband reference (transcript-rebuilt; emitter-appended) ---
"""Pipeline reference for scband-dense-network-11519102288348 (READ-ONLY COPY).

The authoritative reference and input builder live on the scoring server;
editing this copy changes nothing except your own understanding.
"""

import jax, jax.numpy as jnp
import numpy as np

VOCAB = 100000
EMBED_DIM = 100
HIDDEN_DIM = 1024
OUT_DIM = 4
BATCH = 4096
HIST = 50

def setup_inputs(seed: int = 0) -> dict:
    key = jax.random.key(seed)
    k1, k2, k3, k4, k5, k6 = jax.random.split(key, 6)
    x = jax.random.randint(k1, (BATCH, HIST), 0, VOCAB, dtype=jnp.int32)
    emb = jax.random.normal(k2, (VOCAB, EMBED_DIM), dtype=jnp.float32)
    W1 = jax.random.normal(k3, (EMBED_DIM, HIDDEN_DIM), dtype=jnp.float32) * (1.0 / np.sqrt(EMBED_DIM))
    b1 = jax.random.uniform(k4, (HIDDEN_DIM,), dtype=jnp.float32, minval=-0.05, maxval=0.05)
    W2 = jax.random.normal(k5, (HIDDEN_DIM, OUT_DIM), dtype=jnp.float32) * (1.0 / np.sqrt(HIDDEN_DIM))
    b2 = jax.random.uniform(k6, (OUT_DIM,), dtype=jnp.float32, minval=-0.05, maxval=0.05)
    return {"x": x, "emb": emb, "W1": W1, "b1": b1, "W2": W2, "b2": b2}

def reference(x, emb, W1, b1, W2, b2):
    # embedding lookup (gather rows)
    h = jnp.take(emb, x, axis=0)          # [B, L, 100]
    # sum over sequence dim
    h = h.sum(axis=1)                      # [B, 100]
    # fc1 + sigmoid
    h = h @ W1 + b1                        # [B, hidden_dim]
    h = jax.nn.sigmoid(h)
    # fc2
    out = h @ W2 + b2                      # [B, 4]
    return out

if __name__ == "__main__":
    import jax
    _d = setup_inputs()
    print(jax.jit(kernel)(*tuple(_d.values())))

</pallas_src>

<mosaic_0001>
#map = affine_map<(d0, d1) -> (0, 0)>
#map1 = affine_map<(d0, d1) -> (0, 0, 0)>
module attributes {stable_mosaic.version = 14 : i64} {
  func.func @k(%arg0: i32, %arg1: i32, %arg2: memref<100000x128xf32, #tpu.memory_space<hbm>>, %arg3: memref<32x100x64xi32, #tpu.memory_space<hbm>>, %arg4: memref<32x2x64xi32, #tpu.memory_space<hbm>>, %arg5: memref<4096x128xf32, #tpu.memory_space<hbm>>, %arg6: memref<4096x128xf32, #tpu.memory_space<hbm>>, %arg7: memref<100x64xi32, #tpu.memory_space<vmem>>, %arg8: memref<2x64xi32, #tpu.memory_space<vmem>>, %arg9: memref<64x128xf32, #tpu.memory_space<vmem>>, %arg10: memref<64x128xf32, #tpu.memory_space<vmem>>, %arg11: memref<64x128xf32, #tpu.memory_space<vmem>>, %arg12: memref<64x128xf32, #tpu.memory_space<vmem>>, %arg13: memref<64x128xf32, #tpu.memory_space<vmem>>, %arg14: memref<64x128xf32, #tpu.memory_space<vmem>>, %arg15: memref<64x128xf32, #tpu.memory_space<vmem>>, %arg16: memref<64x128xf32, #tpu.memory_space<vmem>>, %arg17: memref<64x128xf32, #tpu.memory_space<vmem>>, %arg18: memref<64x128xf32, #tpu.memory_space<vmem>>, %arg19: memref<!tpu.dma_semaphore, #tpu.memory_space<semaphore_mem>>, %arg20: memref<!tpu.dma_semaphore, #tpu.memory_space<semaphore_mem>>, %arg21: memref<!tpu.dma_semaphore, #tpu.memory_space<semaphore_mem>>, %arg22: memref<!tpu.dma_semaphore, #tpu.memory_space<semaphore_mem>>, %arg23: memref<!tpu.dma_semaphore, #tpu.memory_space<semaphore_mem>>, %arg24: memref<!tpu.dma_semaphore, #tpu.memory_space<semaphore_mem>>, %arg25: memref<!tpu.dma_semaphore, #tpu.memory_space<semaphore_mem>>, %arg26: memref<!tpu.dma_semaphore, #tpu.memory_space<semaphore_mem>>, %arg27: memref<!tpu.dma_semaphore, #tpu.memory_space<semaphore_mem>>, %arg28: memref<!tpu.dma_semaphore, #tpu.memory_space<semaphore_mem>>, %arg29: memref<!tpu.dma_semaphore, #tpu.memory_space<semaphore_mem>>, %arg30: memref<!tpu.dma_semaphore, #tpu.memory_space<semaphore_mem>>, %arg31: memref<!tpu.dma_semaphore, #tpu.memory_space<semaphore_mem>>, %arg32: memref<!tpu.dma_semaphore, #tpu.memory_space<semaphore_mem>>, %arg33: memref<!tpu.dma_semaphore, #tpu.memory_space<semaphore_mem>>, %arg34: memref<!tpu.dma_semaphore, #tpu.memory_space<semaphore_mem>>, %arg35: memref<!tpu.dma_semaphore, #tpu.memory_space<semaphore_mem>>, %arg36: memref<!tpu.dma_semaphore, #tpu.memory_space<semaphore_mem>>, %arg37: memref<!tpu.dma_semaphore, #tpu.memory_space<semaphore_mem>>, %arg38: memref<!tpu.dma_semaphore, #tpu.memory_space<semaphore_mem>>, %arg39: memref<2048x128xf32, #tpu.memory_space<vmem_shared>>) attributes {dimension_semantics = [#tpu.dimension_semantics<core_parallel>, #tpu.dimension_semantics<subcore_parallel>], iteration_bounds = array<i64: 2, 16>, scalar_prefetch = 0 : i64, scratch_operands = 33 : i64, tpu.core_type = #tpu.core_type<sc_vector_subcore>, window_params = [{transform_indices = #map}, {transform_indices = #map1}, {transform_indices = #map1}, {transform_indices = #map}, {transform_indices = #map}]} {
    %mul3A = arith.constant 16 : i32
    %mul3A_0 = arith.muli %arg0, %mul3A : i32
    %add3A = arith.addi %mul3A_0, %arg1 : i32
    "tpu.region"() ({
      %run_scoped3A = tpu.sem_alloc : memref<!tpu.dma_semaphore, #tpu.memory_space<semaphore_mem>>
      %dma_start3A_291 = arith.constant 0 : i32
      %dma_start3A_292 = arith.constant 0 : i32
      %dma_start3A_293 = tpu.memref_slice %arg3[%add3A, %dma_start3A_291, %dma_start3A_292] : memref<32x100x64xi32, #tpu.memory_space<hbm>> -> memref<1x100x64xi32, #tpu.memory_space<hbm>>
      %dma_start3A_294 = tpu.memref_squeeze %dma_start3A_293 : memref<1x100x64xi32, #tpu.memory_space<hbm>> -> memref<100x64xi32, #tpu.memory_space<hbm>>
      %dma_start3A_295 = arith.constant 0 : i32
      %dma_start3A_296 = arith.constant 0 : i32
      %dma_start3A_297 = tpu.memref_slice %arg3[%add3A, %dma_start3A_295, %dma_start3A_296] : memref<32x100x64xi32, #tpu.memory_space<hbm>> -> memref<1x100x64xi32, #tpu.memory_space<hbm>>
      %dma_start3A_298 = tpu.memref_squeeze %dma_start3A_297 : memref<1x100x64xi32, #tpu.memory_space<hbm>> -> memref<100x64xi32, #tpu.memory_space<hbm>>
      tpu.enqueue_dma source(%dma_start3A_298 : memref<100x64xi32, #tpu.memory_space<hbm>>) target(%arg7 : memref<100x64xi32, #tpu.memory_space<vmem>>) target_semaphore(%run_scoped3A : memref<!tpu.dma_semaphore, #tpu.memory_space<semaphore_mem>>)
      %dma_wait3A_299 = arith.constant 0 : i32
      %dma_wait3A_300 = arith.constant 0 : i32
      %dma_wait3A_301 = tpu.memref_slice %arg3[%add3A, %dma_wait3A_299, %dma_wait3A_300] : memref<32x100x64xi32, #tpu.memory_space<hbm>> -> memref<1x100x64xi32, #tpu.memory_space<hbm>>
      %dma_wait3A_302 = tpu.memref_squeeze %dma_wait3A_301 : memref<1x100x64xi32, #tpu.memory_space<hbm>> -> memref<100x64xi32, #tpu.memory_space<hbm>>
      %dma_wait3A_303 = arith.constant 0 : i32
      %dma_wait3A_304 = arith.constant 0 : i32
      %dma_wait3A_305 = tpu.memref_slice %arg3[%add3A, %dma_wait3A_303, %dma_wait3A_304] : memref<32x100x64xi32, #tpu.memory_space<hbm>> -> memref<1x100x64xi32, #tpu.memory_space<hbm>>
      %dma_wait3A_306 = tpu.memref_squeeze %dma_wait3A_305 : memref<1x100x64xi32, #tpu.memory_space<hbm>> -> memref<100x64xi32, #tpu.memory_space<hbm>>
      tpu.wait_dma2 semaphore(%run_scoped3A : memref<!tpu.dma_semaphore, #tpu.memory_space<semaphore_mem>>) src(%dma_wait3A_306 : memref<100x64xi32, #tpu.memory_space<hbm>>) dst(%arg7 : memref<100x64xi32, #tpu.memory_space<vmem>>)
      tpu.yield
    }) : () -> ()
    "tpu.region"() ({
      %run_scoped3A = tpu.sem_alloc : memref<!tpu.dma_semaphore, #tpu.memory_space<semaphore_mem>>
      %dma_start3A_291 = arith.constant 0 : i32
      %dma_start3A_292 = arith.constant 0 : i32
      %dma_start3A_293 = tpu.memref_slice %arg4[%add3A, %dma_start3A_291, %dma_start3A_292] : memref<32x2x64xi32, #tpu.memory_space<hbm>> -> memref<1x2x64xi32, #tpu.memory_space<hbm>>
      %dma_start3A_294 = tpu.memref_squeeze %dma_start3A_293 : memref<1x2x64xi32, #tpu.memory_space<hbm>> -> memref<2x64xi32, #tpu.memory_space<hbm>>
      %dma_start3A_295 = arith.constant 0 : i32
      %dma_start3A_296 = arith.constant 0 : i32
      %dma_start3A_297 = tpu.memref_slice %arg4[%add3A, %dma_start3A_295, %dma_start3A_296] : memref<32x2x64xi32, #tpu.memory_space<hbm>> -> memref<1x2x64xi32, #tpu.memory_space<hbm>>
      %dma_start3A_298 = tpu.memref_squeeze %dma_start3A_297 : memref<1x2x64xi32, #tpu.memory_space<hbm>> -> memref<2x64xi32, #tpu.memory_space<hbm>>
      tpu.enqueue_dma source(%dma_start3A_298 : memref<2x64xi32, #tpu.memory_space<hbm>>) target(%arg8 : memref<2x64xi32, #tpu.memory_space<vmem>>) target_semaphore(%run_scoped3A : memref<!tpu.dma_semaphore, #tpu.memory_space<semaphore_mem>>)
      %dma_wait3A_299 = arith.constant 0 : i32
      %dma_wait3A_300 = arith.constant 0 : i32
      %dma_wait3A_301 = tpu.memref_slice %arg4[%add3A, %dma_wait3A_299, %dma_wait3A_300] : memref<32x2x64xi32, #tpu.memory_space<hbm>> -> memref<1x2x64xi32, #tpu.memory_space<hbm>>
      %dma_wait3A_302 = tpu.memref_squeeze %dma_wait3A_301 : memref<1x2x64xi32, #tpu.memory_space<hbm>> -> memref<2x64xi32, #tpu.memory_space<hbm>>
      %dma_wait3A_303 = arith.constant 0 : i32
      %dma_wait3A_304 = arith.constant 0 : i32
      %dma_wait3A_305 = tpu.memref_slice %arg4[%add3A, %dma_wait3A_303, %dma_wait3A_304] : memref<32x2x64xi32, #tpu.memory_space<hbm>> -> memref<1x2x64xi32, #tpu.memory_space<hbm>>
      %dma_wait3A_306 = tpu.memref_squeeze %dma_wait3A_305 : memref<1x2x64xi32, #tpu.memory_space<hbm>> -> memref<2x64xi32, #tpu.memory_space<hbm>>
      tpu.wait_dma2 semaphore(%run_scoped3A : memref<!tpu.dma_semaphore, #tpu.memory_space<semaphore_mem>>) src(%dma_wait3A_306 : memref<2x64xi32, #tpu.memory_space<hbm>>) dst(%arg8 : memref<2x64xi32, #tpu.memory_space<vmem>>)
      tpu.yield
    }) : () -> ()
    %mul3A_1 = arith.constant 128 : i32
    %mul3A_2 = arith.muli %add3A, %mul3A_1 : i32
    %mul3A_3 = arith.constant 128 : i32
    %mul3A_4 = arith.muli %arg1, %mul3A_3 : i32
    "tpu.region"() ({
      %run_scoped3A = tpu.sem_alloc : memref<!tpu.dma_semaphore, #tpu.memory_space<semaphore_mem>>
      %dma_start3A_291 = arith.constant 0 : i32
      %dma_start3A_292 = tpu.memref_slice %arg39[%mul3A_4, %dma_start3A_291] : memref<2048x128xf32, #tpu.memory_space<vmem_shared>> -> memref<128x128xf32, #tpu.memory_space<vmem_shared>>
      %dma_start3A_293 = arith.constant 0 : i32
      %dma_start3A_294 = tpu.memref_slice %arg5[%mul3A_2, %dma_start3A_293] : memref<4096x128xf32, #tpu.memory_space<hbm>> -> memref<128x128xf32, #tpu.memory_space<hbm>>
      tpu.enqueue_dma source(%dma_start3A_294 : memref<128x128xf32, #tpu.memory_space<hbm>>) target(%dma_start3A_292 : memref<128x128xf32, #tpu.memory_space<vmem_shared>>) target_semaphore(%run_scoped3A : memref<!tpu.dma_semaphore, #tpu.memory_space<semaphore_mem>>)
      %dma_wait3A_295 = arith.constant 0 : i32
      %dma_wait3A_296 = tpu.memref_slice %arg39[%mul3A_4, %dma_wait3A_295] : memref<2048x128xf32, #tpu.memory_space<vmem_shared>> -> memref<128x128xf32, #tpu.memory_space<vmem_shared>>
      %dma_wait3A_297 = arith.constant 0 : i32
      %dma_wait3A_298 = tpu.memref_slice %arg5[%mul3A_2, %dma_wait3A_297] : memref<4096x128xf32, #tpu.memory_space<hbm>> -> memref<128x128xf32, #tpu.memory_space<hbm>>
      tpu.wait_dma2 semaphore(%run_scoped3A : memref<!tpu.dma_semaphore, #tpu.memory_space<semaphore_mem>>) src(%dma_wait3A_298 : memref<128x128xf32, #tpu.memory_space<hbm>>) dst(%dma_wait3A_296 : memref<128x128xf32, #tpu.memory_space<vmem_shared>>)
      tpu.yield
    }) : () -> ()
    %dma_start3A = arith.constant 0 : i32
    %dma_start3A_5 = arith.constant 0 : i32
    %dma_start3A_6 = tpu.memref_slice %arg7[%dma_start3A, %dma_start3A_5] : memref<100x64xi32, #tpu.memory_space<vmem>> -> memref<1x64xi32, #tpu.memory_space<vmem>>
    %dma_start3A_7 = tpu.memref_squeeze %dma_start3A_6 : memref<1x64xi32, #tpu.memory_space<vmem>> -> memref<64xi32, #tpu.memory_space<vmem>>
    %dma_start3A_8 = arith.constant 0 : i32
    %dma_start3A_9 = arith.constant 0 : i32
    %dma_start3A_10 = tpu.memref_slice %arg2[%dma_start3A_8, %dma_start3A_9] : memref<100000x128xf32, #tpu.memory_space<hbm>> -> memref<100000x128xf32, #tpu.memory_space<hbm>>
    tpu.enqueue_indirect_dma source(%dma_start3A_10 : memref<100000x128xf32, #tpu.memory_space<hbm>>) target(%arg9 : memref<64x128xf32, #tpu.memory_space<vmem>>) offsets(%dma_start3A_7 : memref<64xi32, #tpu.memory_space<vmem>>) semaphore(%arg19 : memref<!tpu.dma_semaphore, #tpu.memory_space<semaphore_mem>>)
    %dma_start3A_11 = arith.constant 1 : i32
    %dma_start3A_12 = arith.constant 0 : i32
    %dma_start3A_13 = tpu.memref_slice %arg7[%dma_start3A_11, %dma_start3A_12] : memref<100x64xi32, #tpu.memory_space<vmem>> -> memref<1x64xi32, #tpu.memory_space<vmem>>
    %dma_start3A_14 = tpu.memref_squeeze %dma_start3A_13 : memref<1x64xi32, #tpu.memory_space<vmem>> -> memref<64xi32, #tpu.memory_space<vmem>>
    %dma_start3A_15 = arith.constant 0 : i32
    %dma_start3A_16 = arith.constant 0 : i32
    %dma_start3A_17 = tpu.memref_slice %arg2[%dma_start3A_15, %dma_start3A_16] : memref<100000x128xf32, #tpu.memory_space<hbm>> -> memref<100000x128xf32, #tpu.memory_space<hbm>>
    tpu.enqueue_indirect_dma source(%dma_start3A_17 : memref<100000x128xf32, #tpu.memory_space<hbm>>) target(%arg10 : memref<64x128xf32, #tpu.memory_space<vmem>>) offsets(%dma_start3A_14 : memref<64xi32, #tpu.memory_space<vmem>>) semaphore(%arg20 : memref<!tpu.dma_semaphore, #tpu.memory_space<semaphore_mem>>)
    %dma_start3A_18 = arith.constant 2 : i32
    %dma_start3A_19 = arith.constant 0 : i32
    %dma_start3A_20 = tpu.memref_slice %arg7[%dma_start3A_18, %dma_start3A_19] : memref<100x64xi32, #tpu.memory_space<vmem>> -> memref<1x64xi32, #tpu.memory_space<vmem>>
    %dma_start3A_21 = tpu.memref_squeeze %dma_start3A_20 : memref<1x64xi32, #tpu.memory_space<vmem>> -> memref<64xi32, #tpu.memory_space<vmem>>
    %dma_start3A_22 = arith.constant 0 : i32
    %dma_start3A_23 = arith.constant 0 : i32
    %dma_start3A_24 = tpu.memref_slice %arg2[%dma_start3A_22, %dma_start3A_23] : memref<100000x128xf32, #tpu.memory_space<hbm>> -> memref<100000x128xf32, #tpu.memory_space<hbm>>
    tpu.enqueue_indirect_dma source(%dma_start3A_24 : memref<100000x128xf32, #tpu.memory_space<hbm>>) target(%arg11 : memref<64x128xf32, #tpu.memory_space<vmem>>) offsets(%dma_start3A_21 : memref<64xi32, #tpu.memory_space<vmem>>) semaphore(%arg21 : memref<!tpu.dma_semaphore, #tpu.memory_space<semaphore_mem>>)
    %dma_start3A_25 = arith.constant 3 : i32
    %dma_start3A_26 = arith.constant 0 : i32
    %dma_start3A_27 = tpu.memref_slice %arg7[%dma_start3A_25, %dma_start3A_26] : memref<100x64xi32, #tpu.memory_space<vmem>> -> memref<1x64xi32, #tpu.memory_space<vmem>>
    %dma_start3A_28 = tpu.memref_squeeze %dma_start3A_27 : memref<1x64xi32, #tpu.memory_space<vmem>> -> memref<64xi32, #tpu.memory_space<vmem>>
    %dma_start3A_29 = arith.constant 0 : i32
    %dma_start3A_30 = arith.constant 0 : i32
    %dma_start3A_31 = tpu.memref_slice %arg2[%dma_start3A_29, %dma_start3A_30] : memref<100000x128xf32, #tpu.memory_space<hbm>> -> memref<100000x128xf32, #tpu.memory_space<hbm>>
    tpu.enqueue_indirect_dma source(%dma_start3A_31 : memref<100000x128xf32, #tpu.memory_space<hbm>>) target(%arg12 : memref<64x128xf32, #tpu.memory_space<vmem>>) offsets(%dma_start3A_28 : memref<64xi32, #tpu.memory_space<vmem>>) semaphore(%arg22 : memref<!tpu.dma_semaphore, #tpu.memory_space<semaphore_mem>>)
    %dma_start3A_32 = arith.constant 4 : i32
    %dma_start3A_33 = arith.constant 0 : i32
    %dma_start3A_34 = tpu.memref_slice %arg7[%dma_start3A_32, %dma_start3A_33] : memref<100x64xi32, #tpu.memory_space<vmem>> -> memref<1x64xi32, #tpu.memory_space<vmem>>
    %dma_start3A_35 = tpu.memref_squeeze %dma_start3A_34 : memref<1x64xi32, #tpu.memory_space<vmem>> -> memref<64xi32, #tpu.memory_space<vmem>>
    %dma_start3A_36 = arith.constant 0 : i32
    %dma_start3A_37 = arith.constant 0 : i32
    %dma_start3A_38 = tpu.memref_slice %arg2[%dma_start3A_36, %dma_start3A_37] : memref<100000x128xf32, #tpu.memory_space<hbm>> -> memref<100000x128xf32, #tpu.memory_space<hbm>>
    tpu.enqueue_indirect_dma source(%dma_start3A_38 : memref<100000x128xf32, #tpu.memory_space<hbm>>) target(%arg13 : memref<64x128xf32, #tpu.memory_space<vmem>>) offsets(%dma_start3A_35 : memref<64xi32, #tpu.memory_space<vmem>>) semaphore(%arg23 : memref<!tpu.dma_semaphore, #tpu.memory_space<semaphore_mem>>)
    %dma_start3A_39 = arith.constant 5 : i32
    %dma_start3A_40 = arith.constant 0 : i32
    %dma_start3A_41 = tpu.memref_slice %arg7[%dma_start3A_39, %dma_start3A_40] : memref<100x64xi32, #tpu.memory_space<vmem>> -> memref<1x64xi32, #tpu.memory_space<vmem>>
    %dma_start3A_42 = tpu.memref_squeeze %dma_start3A_41 : memref<1x64xi32, #tpu.memory_space<vmem>> -> memref<64xi32, #tpu.memory_space<vmem>>
    %dma_start3A_43 = arith.constant 0 : i32
    %dma_start3A_44 = arith.constant 0 : i32
    %dma_start3A_45 = tpu.memref_slice %arg2[%dma_start3A_43, %dma_start3A_44] : memref<100000x128xf32, #tpu.memory_space<hbm>> -> memref<100000x128xf32, #tpu.memory_space<hbm>>
    tpu.enqueue_indirect_dma source(%dma_start3A_45 : memref<100000x128xf32, #tpu.memory_space<hbm>>) target(%arg14 : memref<64x128xf32, #tpu.memory_space<vmem>>) offsets(%dma_start3A_42 : memref<64xi32, #tpu.memory_space<vmem>>) semaphore(%arg24 : memref<!tpu.dma_semaphore, #tpu.memory_space<semaphore_mem>>)
    %dma_start3A_46 = arith.constant 6 : i32
    %dma_start3A_47 = arith.constant 0 : i32
    %dma_start3A_48 = tpu.memref_slice %arg7[%dma_start3A_46, %dma_start3A_47] : memref<100x64xi32, #tpu.memory_space<vmem>> -> memref<1x64xi32, #tpu.memory_space<vmem>>
    %dma_start3A_49 = tpu.memref_squeeze %dma_start3A_48 : memref<1x64xi32, #tpu.memory_space<vmem>> -> memref<64xi32, #tpu.memory_space<vmem>>
    %dma_start3A_50 = arith.constant 0 : i32
    %dma_start3A_51 = arith.constant 0 : i32
    %dma_start3A_52 = tpu.memref_slice %arg2[%dma_start3A_50, %dma_start3A_51] : memref<100000x128xf32, #tpu.memory_space<hbm>> -> memref<100000x128xf32, #tpu.memory_space<hbm>>
    tpu.enqueue_indirect_dma source(%dma_start3A_52 : memref<100000x128xf32, #tpu.memory_space<hbm>>) target(%arg15 : memref<64x128xf32, #tpu.memory_space<vmem>>) offsets(%dma_start3A_49 : memref<64xi32, #tpu.memory_space<vmem>>) semaphore(%arg25 : memref<!tpu.dma_semaphore, #tpu.memory_space<semaphore_mem>>)
    %dma_start3A_53 = arith.constant 7 : i32
    %dma_start3A_54 = arith.constant 0 : i32
    %dma_start3A_55 = tpu.memref_slice %arg7[%dma_start3A_53, %dma_start3A_54] : memref<100x64xi32, #tpu.memory_space<vmem>> -> memref<1x64xi32, #tpu.memory_space<vmem>>
    %dma_start3A_56 = tpu.memref_squeeze %dma_start3A_55 : memref<1x64xi32, #tpu.memory_space<vmem>> -> memref<64xi32, #tpu.memory_space<vmem>>
    %dma_start3A_57 = arith.constant 0 : i32
    %dma_start3A_58 = arith.constant 0 : i32
    %dma_start3A_59 = tpu.memref_slice %arg2[%dma_start3A_57, %dma_start3A_58] : memref<100000x128xf32, #tpu.memory_space<hbm>> -> memref<100000x128xf32, #tpu.memory_space<hbm>>
    tpu.enqueue_indirect_dma source(%dma_start3A_59 : memref<100000x128xf32, #tpu.memory_space<hbm>>) target(%arg16 : memref<64x128xf32, #tpu.memory_space<vmem>>) offsets(%dma_start3A_56 : memref<64xi32, #tpu.memory_space<vmem>>) semaphore(%arg26 : memref<!tpu.dma_semaphore, #tpu.memory_space<semaphore_mem>>)
    %dma_start3A_60 = arith.constant 8 : i32
    %dma_start3A_61 = arith.constant 0 : i32
    %dma_start3A_62 = tpu.memref_slice %arg7[%dma_start3A_60, %dma_start3A_61] : memref<100x64xi32, #tpu.memory_space<vmem>> -> memref<1x64xi32, #tpu.memory_space<vmem>>
    %dma_start3A_63 = tpu.memref_squeeze %dma_start3A_62 : memref<1x64xi32, #tpu.memory_space<vmem>> -> memref<64xi32, #tpu.memory_space<vmem>>
    %dma_start3A_64 = arith.constant 0 : i32
    %dma_start3A_65 = arith.constant 0 : i32
    %dma_start3A_66 = tpu.memref_slice %arg2[%dma_start3A_64, %dma_start3A_65] : memref<100000x128xf32, #tpu.memory_space<hbm>> -> memref<100000x128xf32, #tpu.memory_space<hbm>>
    tpu.enqueue_indirect_dma source(%dma_start3A_66 : memref<100000x128xf32, #tpu.memory_space<hbm>>) target(%arg17 : memref<64x128xf32, #tpu.memory_space<vmem>>) offsets(%dma_start3A_63 : memref<64xi32, #tpu.memory_space<vmem>>) semaphore(%arg27 : memref<!tpu.dma_semaphore, #tpu.memory_space<semaphore_mem>>)
    %dma_start3A_67 = arith.constant 9 : i32
    %dma_start3A_68 = arith.constant 0 : i32
    %dma_start3A_69 = tpu.memref_slice %arg7[%dma_start3A_67, %dma_start3A_68] : memref<100x64xi32, #tpu.memory_space<vmem>> -> memref<1x64xi32, #tpu.memory_space<vmem>>
    %dma_start3A_70 = tpu.memref_squeeze %dma_start3A_69 : memref<1x64xi32, #tpu.memory_space<vmem>> -> memref<64xi32, #tpu.memory_space<vmem>>
    %dma_start3A_71 = arith.constant 0 : i32
    %dma_start3A_72 = arith.constant 0 : i32
    %dma_start3A_73 = tpu.memref_slice %arg2[%dma_start3A_71, %dma_start3A_72] : memref<100000x128xf32, #tpu.memory_space<hbm>> -> memref<100000x128xf32, #tpu.memory_space<hbm>>
    tpu.enqueue_indirect_dma source(%dma_start3A_73 : memref<100000x128xf32, #tpu.memory_space<hbm>>) target(%arg18 : memref<64x128xf32, #tpu.memory_space<vmem>>) offsets(%dma_start3A_70 : memref<64xi32, #tpu.memory_space<vmem>>) semaphore(%arg28 : memref<!tpu.dma_semaphore, #tpu.memory_space<semaphore_mem>>)
    %scan3A = arith.constant 0 : i32
    %scan3A_74 = arith.constant 9 : i32
    %scan3A_75 = arith.addi %scan3A, %scan3A_74 : i32
    %scan3A_76 = arith.constant 1 : i32
    scf.for %scan3A_291 = %scan3A to %scan3A_75 step %scan3A_76  : i32 {
      %mul3A_292 = arith.constant 1 : i32
      %mul3A_293 = arith.muli %scan3A_291, %mul3A_292 : i32
      %add3A_294 = arith.constant 0 : i32
      %add3A_295 = arith.addi %add3A_294, %mul3A_293 : i32
      %mul3A_296 = arith.constant 10 : i32
      %mul3A_297 = arith.muli %add3A_295, %mul3A_296 : i32
      %add3A_298 = arith.constant 0 : i32
      %add3A_299 = arith.addi %mul3A_297, %add3A_298 : i32
      %dma_wait3A_300 = arith.constant 0 : i32
      %dma_wait3A_301 = tpu.memref_slice %arg7[%add3A_299, %dma_wait3A_300] : memref<100x64xi32, #tpu.memory_space<vmem>> -> memref<1x64xi32, #tpu.memory_space<vmem>>
      %dma_wait3A_302 = tpu.memref_squeeze %dma_wait3A_301 : memref<1x64xi32, #tpu.memory_space<vmem>> -> memref<64xi32, #tpu.memory_space<vmem>>
      %dma_wait3A_303 = arith.constant 0 : i32
      %dma_wait3A_304 = arith.constant 0 : i32
      %dma_wait3A_305 = tpu.memref_slice %arg2[%dma_wait3A_303, %dma_wait3A_304] : memref<100000x128xf32, #tpu.memory_space<hbm>> -> memref<100000x128xf32, #tpu.memory_space<hbm>>
      tpu.wait_indirect_dma semaphore(%arg19 : memref<!tpu.dma_semaphore, #tpu.memory_space<semaphore_mem>>) src(%dma_wait3A_305 : memref<100000x128xf32, #tpu.memory_space<hbm>>) dst(%arg9 : memref<64x128xf32, #tpu.memory_space<vmem>>)
      %dma_start3A_306 = arith.constant 0 : i32
      %dma_start3A_307 = arith.constant 0 : i32
      %dma_start3A_308 = tpu.memref_slice %arg8[%dma_start3A_306, %dma_start3A_307] : memref<2x64xi32, #tpu.memory_space<vmem>> -> memref<1x64xi32, #tpu.memory_space<vmem>>
      %dma_start3A_309 = tpu.memref_squeeze %dma_start3A_308 : memref<1x64xi32, #tpu.memory_space<vmem>> -> memref<64xi32, #tpu.memory_space<vmem>>
      %dma_start3A_310 = arith.constant 0 : i32
      %dma_start3A_311 = arith.constant 0 : i32
      %dma_start3A_312 = tpu.memref_slice %arg39[%dma_start3A_310, %dma_start3A_311] : memref<2048x128xf32, #tpu.memory_space<vmem_shared>> -> memref<2048x128xf32, #tpu.memory_space<vmem_shared>>
      tpu.enqueue_indirect_dma source(%arg9 : memref<64x128xf32, #tpu.memory_space<vmem>>) target(%dma_start3A_312 : memref<2048x128xf32, #tpu.memory_space<vmem_shared>>) offsets(%dma_start3A_309 : memref<64xi32, #tpu.memory_space<vmem>>) semaphore(%arg29 : memref<!tpu.dma_semaphore, #tpu.memory_space<semaphore_mem>>) {add = true}
      %add3A_313 = arith.constant 1 : i32
      %add3A_314 = arith.addi %mul3A_297, %add3A_313 : i32
      %dma_wait3A_315 = arith.constant 0 : i32
      %dma_wait3A_316 = tpu.memref_slice %arg7[%add3A_314, %dma_wait3A_315] : memref<100x64xi32, #tpu.memory_space<vmem>> -> memref<1x64xi32, #tpu.memory_space<vmem>>
      %dma_wait3A_317 = tpu.memref_squeeze %dma_wait3A_316 : memref<1x64xi32, #tpu.memory_space<vmem>> -> memref<64xi32, #tpu.memory_space<vmem>>
      %dma_wait3A_318 = arith.constant 0 : i32
      %dma_wait3A_319 = arith.constant 0 : i32
      %dma_wait3A_320 = tpu.memref_slice %arg2[%dma_wait3A_318, %dma_wait3A_319] : memref<100000x128xf32, #tpu.memory_space<hbm>> -> memref<100000x128xf32, #tpu.memory_space<hbm>>
      tpu.wait_indirect_dma semaphore(%arg20 : memref<!tpu.dma_semaphore, #tpu.memory_space<semaphore_mem>>) src(%dma_wait3A_320 : memref<100000x128xf32, #tpu.memory_space<hbm>>) dst(%arg10 : memref<64x128xf32, #tpu.memory_space<vmem>>)
      %dma_start3A_321 = arith.constant 1 : i32
      %dma_start3A_322 = arith.constant 0 : i32
      %dma_start3A_323 = tpu.memref_slice %arg8[%dma_start3A_321, %dma_start3A_322] : memref<2x64xi32, #tpu.memory_space<vmem>> -> memref<1x64xi32, #tpu.memory_space<vmem>>
      %dma_start3A_324 = tpu.memref_squeeze %dma_start3A_323 : memref<1x64xi32, #tpu.memory_space<vmem>> -> memref<64xi32, #tpu.memory_space<vmem>>
      %dma_start3A_325 = arith.constant 0 : i32
      %dma_start3A_326 = arith.constant 0 : i32
      %dma_start3A_327 = tpu.memref_slice %arg39[%dma_start3A_325, %dma_start3A_326] : memref<2048x128xf32, #tpu.memory_space<vmem_shared>> -> memref<2048x128xf32, #tpu.memory_space<vmem_shared>>
      tpu.enqueue_indirect_dma source(%arg10 : memref<64x128xf32, #tpu.memory_space<vmem>>) target(%dma_start3A_327 : memref<2048x128xf32, #tpu.memory_space<vmem_shared>>) offsets(%dma_start3A_324 : memref<64xi32, #tpu.memory_space<vmem>>) semaphore(%arg30 : memref<!tpu.dma_semaphore, #tpu.memory_space<semaphore_mem>>) {add = true}
      %add3A_328 = arith.constant 2 : i32
      %add3A_329 = arith.addi %mul3A_297, %add3A_328 : i32
      %dma_wait3A_330 = arith.constant 0 : i32
      %dma_wait3A_331 = tpu.memref_slice %arg7[%add3A_329, %dma_wait3A_330] : memref<100x64xi32, #tpu.memory_space<vmem>> -> memref<1x64xi32, #tpu.memory_space<vmem>>
      %dma_wait3A_332 = tpu.memref_squeeze %dma_wait3A_331 : memref<1x64xi32, #tpu.memory_space<vmem>> -> memref<64xi32, #tpu.memory_space<vmem>>
      %dma_wait3A_333 = arith.constant 0 : i32
      %dma_wait3A_334 = arith.constant 0 : i32
      %dma_wait3A_335 = tpu.memref_slice %arg2[%dma_wait3A_333, %dma_wait3A_334] : memref<100000x128xf32, #tpu.memory_space<hbm>> -> memref<100000x128xf32, #tpu.memory_space<hbm>>
      tpu.wait_indirect_dma semaphore(%arg21 : memref<!tpu.dma_semaphore, #tpu.memory_space<semaphore_mem>>) src(%dma_wait3A_335 : memref<100000x128xf32, #tpu.memory_space<hbm>>) dst(%arg11 : memref<64x128xf32, #tpu.memory_space<vmem>>)
      %dma_wait3A_336 = arith.constant 0 : i32
      %dma_wait3A_337 = arith.constant 0 : i32
      %dma_wait3A_338 = tpu.memref_slice %arg8[%dma_wait3A_336, %dma_wait3A_337] : memref<2x64xi32, #tpu.memory_space<vmem>> -> memref<1x64xi32, #tpu.memory_space<vmem>>
      %dma_wait3A_339 = tpu.memref_squeeze %dma_wait3A_338 : memref<1x64xi32, #tpu.memory_space<vmem>> -> memref<64xi32, #tpu.memory_space<vmem>>
      %dma_wait3A_340 = arith.constant 0 : i32
      %dma_wait3A_341 = arith.constant 0 : i32
      %dma_wait3A_342 = tpu.memref_slice %arg39[%dma_wait3A_340, %dma_wait3A_341] : memref<2048x128xf32, #tpu.memory_space<vmem_shared>> -> memref<2048x128xf32, #tpu.memory_space<vmem_shared>>
      tpu.wait_indirect_dma semaphore(%arg29 : memref<!tpu.dma_semaphore, #tpu.memory_space<semaphore_mem>>) src(%arg9 : memref<64x128xf32, #tpu.memory_space<vmem>>) dst(%dma_wait3A_342 : memref<2048x128xf32, #tpu.memory_space<vmem_shared>>)
      %add3A_343 = arith.constant 2 : i32
      %add3A_344 = arith.addi %mul3A_297, %add3A_343 : i32
      %sub3A = arith.constant 2 : i32
      %sub3A_345 = arith.subi %add3A_344, %sub3A : i32
      %add3A_346 = arith.constant 10 : i32
      %add3A_347 = arith.addi %sub3A_345, %add3A_346 : i32
      %dma_start3A_348 = arith.constant 0 : i32
      %dma_start3A_349 = tpu.memref_slice %arg7[%add3A_347, %dma_start3A_348] : memref<100x64xi32, #tpu.memory_space<vmem>> -> memref<1x64xi32, #tpu.memory_space<vmem>>
      %dma_start3A_350 = tpu.memref_squeeze %dma_start3A_349 : memref<1x64xi32, #tpu.memory_space<vmem>> -> memref<64xi32, #tpu.memory_space<vmem>>
      %dma_start3A_351 = arith.constant 0 : i32
      %dma_start3A_352 = arith.constant 0 : i32
      %dma_start3A_353 = tpu.memref_slice %arg2[%dma_start3A_351, %dma_start3A_352] : memref<100000x128xf32, #tpu.memory_space<hbm>> -> memref<100000x128xf32, #tpu.memory_space<hbm>>
      tpu.enqueue_indirect_dma source(%dma_start3A_353 : memref<100000x128xf32, #tpu.memory_space<hbm>>) target(%arg9 : memref<64x128xf32, #tpu.memory_space<vmem>>) offsets(%dma_start3A_350 : memref<64xi32, #tpu.memory_space<vmem>>) semaphore(%arg19 : memref<!tpu.dma_semaphore, #tpu.memory_space<semaphore_mem>>)
      %dma_start3A_354 = arith.constant 0 : i32
      %dma_start3A_355 = arith.constant 0 : i32
      %dma_start3A_356 = tpu.memref_slice %arg8[%dma_start3A_354, %dma_start3A_355] : memref<2x64xi32, #tpu.memory_space<vmem>> -> memref<1x64xi32, #tpu.memory_space<vmem>>
      %dma_start3A_357 = tpu.memref_squeeze %dma_start3A_356 : memref<1x64xi32, #tpu.memory_space<vmem>> -> memref<64xi32, #tpu.memory_space<vmem>>
      %dma_start3A_358 = arith.constant 0 : i32
      %dma_start3A_359 = arith.constant 0 : i32
      %dma_start3A_360 = tpu.memref_slice %arg39[%dma_start3A_358, %dma_start3A_359] : memref<2048x128xf32, #tpu.memory_space<vmem_shared>> -> memref<2048x128xf32, #tpu.memory_space<vmem_shared>>
      tpu.enqueue_indirect_dma source(%arg11 : memref<64x128xf32, #tpu.memory_space<vmem>>) target(%dma_start3A_360 : memref<2048x128xf32, #tpu.memory_space<vmem_shared>>) offsets(%dma_start3A_357 : memref<64xi32, #tpu.memory_space<vmem>>) semaphore(%arg31 : memref<!tpu.dma_semaphore, #tpu.memory_space<semaphore_mem>>) {add = true}
      %add3A_361 = arith.constant 3 : i32
      %add3A_362 = arith.addi %mul3A_297, %add3A_361 : i32
      %dma_wait3A_363 = arith.constant 0 : i32
      %dma_wait3A_364 = tpu.memref_slice %arg7[%add3A_362, %dma_wait3A_363] : memref<100x64xi32, #tpu.memory_space<vmem>> -> memref<1x64xi32, #tpu.memory_space<vmem>>
      %dma_wait3A_365 = tpu.memref_squeeze %dma_wait3A_364 : memref<1x64xi32, #tpu.memory_space<vmem>> -> memref<64xi32, #tpu.memory_space<vmem>>
      %dma_wait3A_366 = arith.constant 0 : i32
      %dma_wait3A_367 = arith.constant 0 : i32
      %dma_wait3A_368 = tpu.memref_slice %arg2[%dma_wait3A_366, %dma_wait3A_367] : memref<100000x128xf32, #tpu.memory_space<hbm>> -> memref<100000x128xf32, #tpu.memory_space<hbm>>
      tpu.wait_indirect_dma semaphore(%arg22 : memref<!tpu.dma_semaphore, #tpu.memory_space<semaphore_mem>>) src(%dma_wait3A_368 : memref<100000x128xf32, #tpu.memory_space<hbm>>) dst(%arg12 : memref<64x128xf32, #tpu.memory_space<vmem>>)
      %dma_wait3A_369 = arith.constant 1 : i32
      %dma_wait3A_370 = arith.constant 0 : i32
      %dma_wait3A_371 = tpu.memref_slice %arg8[%dma_wait3A_369, %dma_wait3A_370] : memref<2x64xi32, #tpu.memory_space<vmem>> -> memref<1x64xi32, #tpu.memory_space<vmem>>
      %dma_wait3A_372 = tpu.memref_squeeze %dma_wait3A_371 : memref<1x64xi32, #tpu.memory_space<vmem>> -> memref<64xi32, #tpu.memory_space<vmem>>
      %dma_wait3A_373 = arith.constant 0 : i32
      %dma_wait3A_374 = arith.constant 0 : i32
      %dma_wait3A_375 = tpu.memref_slice %arg39[%dma_wait3A_373, %dma_wait3A_374] : memref<2048x128xf32, #tpu.memory_space<vmem_shared>> -> memref<2048x128xf32, #tpu.memory_space<vmem_shared>>
      tpu.wait_indirect_dma semaphore(%arg30 : memref<!tpu.dma_semaphore, #tpu.memory_space<semaphore_mem>>) src(%arg10 : memref<64x128xf32, #tpu.memory_space<vmem>>) dst(%dma_wait3A_375 : memref<2048x128xf32, #tpu.memory_space<vmem_shared>>)
      %add3A_376 = arith.constant 3 : i32
      %add3A_377 = arith.addi %mul3A_297, %add3A_376 : i32
      %sub3A_378 = arith.constant 2 : i32
      %sub3A_379 = arith.subi %add3A_377, %sub3A_378 : i32
      %add3A_380 = arith.constant 10 : i32
      %add3A_381 = arith.addi %sub3A_379, %add3A_380 : i32
      %dma_start3A_382 = arith.constant 0 : i32
      %dma_start3A_383 = tpu.memref_slice %arg7[%add3A_381, %dma_start3A_382] : memref<100x64xi32, #tpu.memory_space<vmem>> -> memref<1x64xi32, #tpu.memory_space<vmem>>
      %dma_start3A_384 = tpu.memref_squeeze %dma_start3A_383 : memref<1x64xi32, #tpu.memory_space<vmem>> -> memref<64xi32, #tpu.memory_space<vmem>>
      %dma_start3A_385 = arith.constant 0 : i32
      %dma_start3A_386 = arith.constant 0 : i32
      %dma_start3A_387 = tpu.memref_slice %arg2[%dma_start3A_385, %dma_start3A_386] : memref<100000x128xf32, #tpu.memory_space<hbm>> -> memref<100000x128xf32, #tpu.memory_space<hbm>>
      tpu.enqueue_indirect_dma source(%dma_start3A_387 : memref<100000x128xf32, #tpu.memory_space<hbm>>) target(%arg10 : memref<64x128xf32, #tpu.memory_space<vmem>>) offsets(%dma_start3A_384 : memref<64xi32, #tpu.memory_space<vmem>>) semaphore(%arg20 : memref<!tpu.dma_semaphore, #tpu.memory_space<semaphore_mem>>)
      %dma_start3A_388 = arith.constant 1 : i32
      %dma_start3A_389 = arith.constant 0 : i32
      %dma_start3A_390 = tpu.memref_slice %arg8[%dma_start3A_388, %dma_start3A_389] : memref<2x64xi32, #tpu.memory_space<vmem>> -> memref<1x64xi32, #tpu.memory_space<vmem>>
      %dma_start3A_391 = tpu.memref_squeeze %dma_start3A_390 : memref<1x64xi32, #tpu.memory_space<vmem>> -> memref<64xi32, #tpu.memory_space<vmem>>
      %dma_start3A_392 = arith.constant 0 : i32
      %dma_start3A_393 = arith.constant 0 : i32
      %dma_start3A_394 = tpu.memref_slice %arg39[%dma_start3A_392, %dma_start3A_393] : memref<2048x128xf32, #tpu.memory_space<vmem_shared>> -> memref<2048x128xf32, #tpu.memory_space<vmem_shared>>
      tpu.enqueue_indirect_dma source(%arg12 : memref<64x128xf32, #tpu.memory_space<vmem>>) target(%dma_start3A_394 : memref<2048x128xf32, #tpu.memory_space<vmem_shared>>) offsets(%dma_start3A_391 : memref<64xi32, #tpu.memory_space<vmem>>) semaphore(%arg32 : memref<!tpu.dma_semaphore, #tpu.memory_space<semaphore_mem>>) {add = true}
      %add3A_395 = arith.constant 4 : i32
      %add3A_396 = arith.addi %mul3A_297, %add3A_395 : i32
      %dma_wait3A_397 = arith.constant 0 : i32
      %dma_wait3A_398 = tpu.memref_slice %arg7[%add3A_396, %dma_wait3A_397] : memref<100x64xi32, #tpu.memory_space<vmem>> -> memref<1x64xi32, #tpu.memory_space<vmem>>
      %dma_wait3A_399 = tpu.memref_squeeze %dma_wait3A_398 : memref<1x64xi32, #tpu.memory_space<vmem>> -> memref<64xi32, #tpu.memory_space<vmem>>
      %dma_wait3A_400 = arith.constant 0 : i32
      %dma_wait3A_401 = arith.constant 0 : i32
      %dma_wait3A_402 = tpu.memref_slice %arg2[%dma_wait3A_400, %dma_wait3A_401] : memref<100000x128xf32, #tpu.memory_space<hbm>> -> memref<100000x128xf32, #tpu.memory_space<hbm>>
      tpu.wait_indirect_dma semaphore(%arg23 : memref<!tpu.dma_semaphore, #tpu.memory_space<semaphore_mem>>) src(%dma_wait3A_402 : memref<100000x128xf32, #tpu.memory_space<hbm>>) dst(%arg13 : memref<64x128xf32, #tpu.memory_space<vmem>>)
      %dma_wait3A_403 = arith.constant 0 : i32
      %dma_wait3A_404 = arith.constant 0 : i32
      %dma_wait3A_405 = tpu.memref_slice %arg8[%dma_wait3A_403, %dma_wait3A_404] : memref<2x64xi32, #tpu.memory_space<vmem>> -> memref<1x64xi32, #tpu.memory_space<vmem>>
      %dma_wait3A_406 = tpu.memref_squeeze %dma_wait3A_405 : memref<1x64xi32, #tpu.memory_space<vmem>> -> memref<64xi32, #tpu.memory_space<vmem>>
      %dma_wait3A_407 = arith.constant 0 : i32
      %dma_wait3A_408 = arith.constant 0 : i32
      %dma_wait3A_409 = tpu.memref_slice %arg39[%dma_wait3A_407, %dma_wait3A_408] : memref<2048x128xf32, #tpu.memory_space<vmem_shared>> -> memref<2048x128xf32, #tpu.memory_space<vmem_shared>>
      tpu.wait_indirect_dma semaphore(%arg31 : memref<!tpu.dma_semaphore, #tpu.memory_space<semaphore_mem>>) src(%arg11 : memref<64x128xf32, #tpu.memory_space<vmem>>) dst(%dma_wait3A_409 : memref<2048x128xf32, #tpu.memory_space<vmem_shared>>)
      %add3A_410 = arith.constant 4 : i32
      %add3A_411 = arith.addi %mul3A_297, %add3A_410 : i32
      %sub3A_412 = arith.constant 2 : i32
      %sub3A_413 = arith.subi %add3A_411, %sub3A_412 : i32
      %add3A_414 = arith.constant 10 : i32
      %add3A_415 = arith.addi %sub3A_413, %add3A_414 : i32
      %dma_start3A_416 = arith.constant 0 : i32
      %dma_start3A_417 = tpu.memref_slice %arg7[%add3A_415, %dma_start3A_416] : memref<100x64xi32, #tpu.memory_space<vmem>> -> memref<1x64xi32, #tpu.memory_space<vmem>>
      %dma_start3A_418 = tpu.memref_squeeze %dma_start3A_417 : memref<1x64xi32, #tpu.memory_space<vmem>> -> memref<64xi32, #tpu.memory_space<vmem>>
      %dma_start3A_419 = arith.constant 0 : i32
      %dma_start3A_420 = arith.constant 0 : i32
      %dma_start3A_421 = tpu.memref_slice %arg2[%dma_start3A_419, %dma_start3A_420] : memref<100000x128xf32, #tpu.memory_space<hbm>> -> memref<100000x128xf32, #tpu.memory_space<hbm>>
      tpu.enqueue_indirect_dma source(%dma_start3A_421 : memref<100000x128xf32, #tpu.memory_space<hbm>>) target(%arg11 : memref<64x128xf32, #tpu.memory_space<vmem>>) offsets(%dma_start3A_418 : memref<64xi32, #tpu.memory_space<vmem>>) semaphore(%arg21 : memref<!tpu.dma_semaphore, #tpu.memory_space<semaphore_mem>>)
      %dma_start3A_422 = arith.constant 0 : i32
      %dma_start3A_423 = arith.constant 0 : i32
      %dma_start3A_424 = tpu.memref_slice %arg8[%dma_start3A_422, %dma_start3A_423] : memref<2x64xi32, #tpu.memory_space<vmem>> -> memref<1x64xi32, #tpu.memory_space<vmem>>
      %dma_start3A_425 = tpu.memref_squeeze %dma_start3A_424 : memref<1x64xi32, #tpu.memory_space<vmem>> -> memref<64xi32, #tpu.memory_space<vmem>>
      %dma_start3A_426 = arith.constant 0 : i32
      %dma_start3A_427 = arith.constant 0 : i32
      %dma_start3A_428 = tpu.memref_slice %arg39[%dma_start3A_426, %dma_start3A_427] : memref<2048x128xf32, #tpu.memory_space<vmem_shared>> -> memref<2048x128xf32, #tpu.memory_space<vmem_shared>>
      tpu.enqueue_indirect_dma source(%arg13 : memref<64x128xf32, #tpu.memory_space<vmem>>) target(%dma_start3A_428 : memref<2048x128xf32, #tpu.memory_space<vmem_shared>>) offsets(%dma_start3A_425 : memref<64xi32, #tpu.memory_space<vmem>>) semaphore(%arg33 : memref<!tpu.dma_semaphore, #tpu.memory_space<semaphore_mem>>) {add = true}
      %add3A_429 = arith.constant 5 : i32
      %add3A_430 = arith.addi %mul3A_297, %add3A_429 : i32
      %dma_wait3A_431 = arith.constant 0 : i32
      %dma_wait3A_432 = tpu.memref_slice %arg7[%add3A_430, %dma_wait3A_431] : memref<100x64xi32, #tpu.memory_space<vmem>> -> memref<1x64xi32, #tpu.memory_space<vmem>>
      %dma_wait3A_433 = tpu.memref_squeeze %dma_wait3A_432 : memref<1x64xi32, #tpu.memory_space<vmem>> -> memref<64xi32, #tpu.memory_space<vmem>>
      %dma_wait3A_434 = arith.constant 0 : i32
      %dma_wait3A_435 = arith.constant 0 : i32
      %dma_wait3A_436 = tpu.memref_slice %arg2[%dma_wait3A_434, %dma_wait3A_435] : memref<100000x128xf32, #tpu.memory_space<hbm>> -> memref<100000x128xf32, #tpu.memory_space<hbm>>
      tpu.wait_indirect_dma semaphore(%arg24 : memref<!tpu.dma_semaphore, #tpu.memory_space<semaphore_mem>>) src(%dma_wait3A_436 : memref<100000x128xf32, #tpu.memory_space<hbm>>) dst(%arg14 : memref<64x128xf32, #tpu.memory_space<vmem>>)
      %dma_wait3A_437 = arith.constant 1 : i32
      %dma_wait3A_438 = arith.constant 0 : i32
      %dma_wait3A_439 = tpu.memref_slice %arg8[%dma_wait3A_437, %dma_wait3A_438] : memref<2x64xi32, #tpu.memory_space<vmem>> -> memref<1x64xi32, #tpu.memory_space<vmem>>
      %dma_wait3A_440 = tpu.memref_squeeze %dma_wait3A_439 : memref<1x64xi32, #tpu.memory_space<vmem>> -> memref<64xi32, #tpu.memory_space<vmem>>
      %dma_wait3A_441 = arith.constant 0 : i32
      %dma_wait3A_442 = arith.constant 0 : i32
      %dma_wait3A_443 = tpu.memref_slice %arg39[%dma_wait3A_441, %dma_wait3A_442] : memref<2048x128xf32, #tpu.memory_space<vmem_shared>> -> memref<2048x128xf32, #tpu.memory_space<vmem_shared>>
      tpu.wait_indirect_dma semaphore(%arg32 : memref<!tpu.dma_semaphore, #tpu.memory_space<semaphore_mem>>) src(%arg12 : memref<64x128xf32, #tpu.memory_space<vmem>>) dst(%dma_wait3A_443 : memref<2048x128xf32, #tpu.memory_space<vmem_shared>>)
      %add3A_444 = arith.constant 5 : i32
      %add3A_445 = arith.addi %mul3A_297, %add3A_444 : i32
      %sub3A_446 = arith.constant 2 : i32
      %sub3A_447 = arith.subi %add3A_445, %sub3A_446 : i32
      %add3A_448 = arith.constant 10 : i32
      %add3A_449 = arith.addi %sub3A_447, %add3A_448 : i32
      %dma_start3A_450 = arith.constant 0 : i32
      %dma_start3A_451 = tpu.memref_slice %arg7[%add3A_449, %dma_start3A_450] : memref<100x64xi32, #tpu.memory_space<vmem>> -> memref<1x64xi32, #tpu.memory_space<vmem>>
      %dma_start3A_452 = tpu.memref_squeeze %dma_start3A_451 : memref<1x64xi32, #tpu.memory_space<vmem>> -> memref<64xi32, #tpu.memory_space<vmem>>
      %dma_start3A_453 = arith.constant 0 : i32
      %dma_start3A_454 = arith.constant 0 : i32
      %dma_start3A_455 = tpu.memref_slice %arg2[%dma_start3A_453, %dma_start3A_454] : memref<100000x128xf32, #tpu.memory_space<hbm>> -> memref<100000x128xf32, #tpu.memory_space<hbm>>
      tpu.enqueue_indirect_dma source(%dma_start3A_455 : memref<100000x128xf32, #tpu.memory_space<hbm>>) target(%arg12 : memref<64x128xf32, #tpu.memory_space<vmem>>) offsets(%dma_start3A_452 : memref<64xi32, #tpu.memory_space<vmem>>) semaphore(%arg22 : memref<!tpu.dma_semaphore, #tpu.memory_space<semaphore_mem>>)
      %dma_start3A_456 = arith.constant 1 : i32
      %dma_start3A_457 = arith.constant 0 : i32
      %dma_start3A_458 = tpu.memref_slice %arg8[%dma_start3A_456, %dma_start3A_457] : memref<2x64xi32, #tpu.memory_space<vmem>> -> memref<1x64xi32, #tpu.memory_space<vmem>>
      %dma_start3A_459 = tpu.memref_squeeze %dma_start3A_458 : memref<1x64xi32, #tpu.memory_space<vmem>> -> memref<64xi32, #tpu.memory_space<vmem>>
      %dma_start3A_460 = arith.constant 0 : i32
      %dma_start3A_461 = arith.constant 0 : i32
      %dma_start3A_462 = tpu.memref_slice %arg39[%dma_start3A_460, %dma_start3A_461] : memref<2048x128xf32, #tpu.memory_space<vmem_shared>> -> memref<2048x128xf32, #tpu.memory_space<vmem_shared>>
      tpu.enqueue_indirect_dma source(%arg14 : memref<64x128xf32, #tpu.memory_space<vmem>>) target(%dma_start3A_462 : memref<2048x128xf32, #tpu.memory_space<vmem_shared>>) offsets(%dma_start3A_459 : memref<64xi32, #tpu.memory_space<vmem>>) semaphore(%arg34 : memref<!tpu.dma_semaphore, #tpu.memory_space<semaphore_mem>>) {add = true}
      %add3A_463 = arith.constant 6 : i32
      %add3A_464 = arith.addi %mul3A_297, %add3A_463 : i32
      %dma_wait3A_465 = arith.constant 0 : i32
      %dma_wait3A_466 = tpu.memref_slice %arg7[%add3A_464, %dma_wait3A_465] : memref<100x64xi32, #tpu.memory_space<vmem>> -> memref<1x64xi32, #tpu.memory_space<vmem>>
      %dma_wait3A_467 = tpu.memref_squeeze %dma_wait3A_466 : memref<1x64xi32, #tpu.memory_space<vmem>> -> memref<64xi32, #tpu.memory_space<vmem>>
      %dma_wait3A_468 = arith.constant 0 : i32
      %dma_wait3A_469 = arith.constant 0 : i32
      %dma_wait3A_470 = tpu.memref_slice %arg2[%dma_wait3A_468, %dma_wait3A_469] : memref<100000x128xf32, #tpu.memory_space<hbm>> -> memref<100000x128xf32, #tpu.memory_space<hbm>>
      tpu.wait_indirect_dma semaphore(%arg25 : memref<!tpu.dma_semaphore, #tpu.memory_space<semaphore_mem>>) src(%dma_wait3A_470 : memref<100000x128xf32, #tpu.memory_space<hbm>>) dst(%arg15 : memref<64x128xf32, #tpu.memory_space<vmem>>)
      %dma_wait3A_471 = arith.constant 0 : i32
      %dma_wait3A_472 = arith.constant 0 : i32
      %dma_wait3A_473 = tpu.memref_slice %arg8[%dma_wait3A_471, %dma_wait3A_472] : memref<2x64xi32, #tpu.memory_space<vmem>> -> memref<1x64xi32, #tpu.memory_space<vmem>>
      %dma_wait3A_474 = tpu.memref_squeeze %dma_wait3A_473 : memref<1x64xi32, #tpu.memory_space<vmem>> -> memref<64xi32, #tpu.memory_space<vmem>>
      %dma_wait3A_475 = arith.constant 0 : i32
      %dma_wait3A_476 = arith.constant 0 : i32
      %dma_wait3A_477 = tpu.memref_slice %arg39[%dma_wait3A_475, %dma_wait3A_476] : memref<2048x128xf32, #tpu.memory_space<vmem_shared>> -> memref<2048x128xf32, #tpu.memory_space<vmem_shared>>
      tpu.wait_indirect_dma semaphore(%arg33 : memref<!tpu.dma_semaphore, #tpu.memory_space<semaphore_mem>>) src(%arg13 : memref<64x128xf32, #tpu.memory_space<vmem>>) dst(%dma_wait3A_477 : memref<2048x128xf32, #tpu.memory_space<vmem_shared>>)
      %add3A_478 = arith.constant 6 : i32
      %add3A_479 = arith.addi %mul3A_297, %add3A_478 : i32
      %sub3A_480 = arith.constant 2 : i32
      %sub3A_481 = arith.subi %add3A_479, %sub3A_480 : i32
      %add3A_482 = arith.constant 10 : i32
      %add3A_483 = arith.addi %sub3A_481, %add3A_482 : i32
      %dma_start3A_484 = arith.constant 0 : i32
      %dma_start3A_485 = tpu.memref_slice %arg7[%add3A_483, %dma_start3A_484] : memref<100x64xi32, #tpu.memory_space<vmem>> -> memref<1x64xi32, #tpu.memory_space<vmem>>
      %dma_start3A_486 = tpu.memref_squeeze %dma_start3A_485 : memref<1x64xi32, #tpu.memory_space<vmem>> -> memref<64xi32, #tpu.memory_space<vmem>>
      %dma_start3A_487 = arith.constant 0 : i32
      %dma_start3A_488 = arith.constant 0 : i32
      %dma_start3A_489 = tpu.memref_slice %arg2[%dma_start3A_487, %dma_start3A_488] : memref<100000x128xf32, #tpu.memory_space<hbm>> -> memref<100000x128xf32, #tpu.memory_space<hbm>>
      tpu.enqueue_indirect_dma source(%dma_start3A_489 : memref<100000x128xf32, #tpu.memory_space<hbm>>) target(%arg13 : memref<64x128xf32, #tpu.memory_space<vmem>>) offsets(%dma_start3A_486 : memref<64xi32, #tpu.memory_space<vmem>>) semaphore(%arg23 : memref<!tpu.dma_semaphore, #tpu.memory_space<semaphore_mem>>)
      %dma_start3A_490 = arith.constant 0 : i32
      %dma_start3A_491 = arith.constant 0 : i32
      %dma_start3A_492 = tpu.memref_slice %arg8[%dma_start3A_490, %dma_start3A_491] : memref<2x64xi32, #tpu.memory_space<vmem>> -> memref<1x64xi32, #tpu.memory_space<vmem>>
      %dma_start3A_493 = tpu.memref_squeeze %dma_start3A_492 : memref<1x64xi32, #tpu.memory_space<vmem>> -> memref<64xi32, #tpu.memory_space<vmem>>
      %dma_start3A_494 = arith.constant 0 : i32
      %dma_start3A_495 = arith.constant 0 : i32
      %dma_start3A_496 = tpu.memref_slice %arg39[%dma_start3A_494, %dma_start3A_495] : memref<2048x128xf32, #tpu.memory_space<vmem_shared>> -> memref<2048x128xf32, #tpu.memory_space<vmem_shared>>
      tpu.enqueue_indirect_dma source(%arg15 : memref<64x128xf32, #tpu.memory_space<vmem>>) target(%dma_start3A_496 : memref<2048x128xf32, #tpu.memory_space<vmem_shared>>) offsets(%dma_start3A_493 : memref<64xi32, #tpu.memory_space<vmem>>) semaphore(%arg35 : memref<!tpu.dma_semaphore, #tpu.memory_space<semaphore_mem>>) {add = true}
      %add3A_497 = arith.constant 7 : i32
      %add3A_498 = arith.addi %mul3A_297, %add3A_497 : i32
      %dma_wait3A_499 = arith.constant 0 : i32
      %dma_wait3A_500 = tpu.memref_slice %arg7[%add3A_498, %dma_wait3A_499] : memref<100x64xi32, #tpu.memory_space<vmem>> -> memref<1x64xi32, #tpu.memory_space<vmem>>
      %dma_wait3A_501 = tpu.memref_squeeze %dma_wait3A_500 : memref<1x64xi32, #tpu.memory_space<vmem>> -> memref<64xi32, #tpu.memory_space<vmem>>
      %dma_wait3A_502 = arith.constant 0 : i32
      %dma_wait3A_503 = arith.constant 0 : i32
      %dma_wait3A_504 = tpu.memref_slice %arg2[%dma_wait3A_502, %dma_wait3A_503] : memref<100000x128xf32, #tpu.memory_space<hbm>> -> memref<100000x128xf32, #tpu.memory_space<hbm>>
      tpu.wait_indirect_dma semaphore(%arg26 : memref<!tpu.dma_semaphore, #tpu.memory_space<semaphore_mem>>) src(%dma_wait3A_504 : memref<100000x128xf32, #tpu.memory_space<hbm>>) dst(%arg16 : memref<64x128xf32, #tpu.memory_space<vmem>>)
      %dma_wait3A_505 = arith.constant 1 : i32
      %dma_wait3A_506 = arith.constant 0 : i32
      %dma_wait3A_507 = tpu.memref_slice %arg8[%dma_wait3A_505, %dma_wait3A_506] : memref<2x64xi32, #tpu.memory_space<vmem>> -> memref<1x64xi32, #tpu.memory_space<vmem>>
      %dma_wait3A_508 = tpu.memref_squeeze %dma_wait3A_507 : memref<1x64xi32, #tpu.memory_space<vmem>> -> memref<64xi32, #tpu.memory_space<vmem>>
      %dma_wait3A_509 = arith.constant 0 : i32
      %dma_wait3A_510 = arith.constant 0 : i32
      %dma_wait3A_511 = tpu.memref_slice %arg39[%dma_wait3A_509, %dma_wait3A_510] : memref<2048x128xf32, #tpu.memory_space<vmem_shared>> -> memref<2048x128xf32, #tpu.memory_space<vmem_shared>>
      tpu.wait_indirect_dma semaphore(%arg34 : memref<!tpu.dma_semaphore, #tpu.memory_space<semaphore_mem>>) src(%arg14 : memref<64x128xf32, #tpu.memory_space<vmem>>) dst(%dma_wait3A_511 : memref<2048x128xf32, #tpu.memory_space<vmem_shared>>)
      %add3A_512 = arith.constant 7 : i32
      %add3A_513 = arith.addi %mul3A_297, %add3A_512 : i32
      %sub3A_514 = arith.constant 2 : i32
      %sub3A_515 = arith.subi %add3A_513, %sub3A_514 : i32
      %add3A_516 = arith.constant 10 : i32
      %add3A_517 = arith.addi %sub3A_515, %add3A_516 : i32
      %dma_start3A_518 = arith.constant 0 : i32
      %dma_start3A_519 = tpu.memref_slice %arg7[%add3A_517, %dma_start3A_518] : memref<100x64xi32, #tpu.memory_space<vmem>> -> memref<1x64xi32, #tpu.memory_space<vmem>>
      %dma_start3A_520 = tpu.memref_squeeze %dma_start3A_519 : memref<1x64xi32, #tpu.memory_space<vmem>> -> memref<64xi32, #tpu.memory_space<vmem>>
      %dma_start3A_521 = arith.constant 0 : i32
      %dma_start3A_522 = arith.constant 0 : i32
      %dma_start3A_523 = tpu.memref_slice %arg2[%dma_start3A_521, %dma_start3A_522] : memref<100000x128xf32, #tpu.memory_space<hbm>> -> memref<100000x128xf32, #tpu.memory_space<hbm>>
      tpu.enqueue_indirect_dma source(%dma_start3A_523 : memref<100000x128xf32, #tpu.memory_space<hbm>>) target(%arg14 : memref<64x128xf32, #tpu.memory_space<vmem>>) offsets(%dma_start3A_520 : memref<64xi32, #tpu.memory_space<vmem>>) semaphore(%arg24 : memref<!tpu.dma_semaphore, #tpu.memory_space<semaphore_mem>>)
      %dma_start3A_524 = arith.constant 1 : i32
      %dma_start3A_525 = arith.constant 0 : i32
      %dma_start3A_526 = tpu.memref_slice %arg8[%dma_start3A_524, %dma_start3A_525] : memref<2x64xi32, #tpu.memory_space<vmem>> -> memref<1x64xi32, #tpu.memory_space<vmem>>
      %dma_start3A_527 = tpu.memref_squeeze %dma_start3A_526 : memref<1x64xi32, #tpu.memory_space<vmem>> -> memref<64xi32, #tpu.memory_space<vmem>>
      %dma_start3A_528 = arith.constant 0 : i32
      %dma_start3A_529 = arith.constant 0 : i32
      %dma_start3A_530 = tpu.memref_slice %arg39[%dma_start3A_528, %dma_start3A_529] : memref<2048x128xf32, #tpu.memory_space<vmem_shared>> -> memref<2048x128xf32, #tpu.memory_space<vmem_shared>>
      tpu.enqueue_indirect_dma source(%arg16 : memref<64x128xf32, #tpu.memory_space<vmem>>) target(%dma_start3A_530 : memref<2048x128xf32, #tpu.memory_space<vmem_shared>>) offsets(%dma_start3A_527 : memref<64xi32, #tpu.memory_space<vmem>>) semaphore(%arg36 : memref<!tpu.dma_semaphore, #tpu.memory_space<semaphore_mem>>) {add = true}
      %add3A_531 = arith.constant 8 : i32
      %add3A_532 = arith.addi %mul3A_297, %add3A_531 : i32
      %dma_wait3A_533 = arith.constant 0 : i32
      %dma_wait3A_534 = tpu.memref_slice %arg7[%add3A_532, %dma_wait3A_533] : memref<100x64xi32, #tpu.memory_space<vmem>> -> memref<1x64xi32, #tpu.memory_space<vmem>>
      %dma_wait3A_535 = tpu.memref_squeeze %dma_wait3A_534 : memref<1x64xi32, #tpu.memory_space<vmem>> -> memref<64xi32, #tpu.memory_space<vmem>>
      %dma_wait3A_536 = arith.constant 0 : i32
      %dma_wait3A_537 = arith.constant 0 : i32
      %dma_wait3A_538 = tpu.memref_slice %arg2[%dma_wait3A_536, %dma_wait3A_537] : memref<100000x128xf32, #tpu.memory_space<hbm>> -> memref<100000x128xf32, #tpu.memory_space<hbm>>
      tpu.wait_indirect_dma semaphore(%arg27 : memref<!tpu.dma_semaphore, #tpu.memory_space<semaphore_mem>>) src(%dma_wait3A_538 : memref<100000x128xf32, #tpu.memory_space<hbm>>) dst(%arg17 : memref<64x128xf32, #tpu.memory_space<vmem>>)
      %dma_wait3A_539 = arith.constant 0 : i32
      %dma_wait3A_540 = arith.constant 0 : i32
      %dma_wait3A_541 = tpu.memref_slice %arg8[%dma_wait3A_539, %dma_wait3A_540] : memref<2x64xi32, #tpu.memory_space<vmem>> -> memref<1x64xi32, #tpu.memory_space<vmem>>
      %dma_wait3A_542 = tpu.memref_squeeze %dma_wait3A_541 : memref<1x64xi32, #tpu.memory_space<vmem>> -> memref<64xi32, #tpu.memory_space<vmem>>
      %dma_wait3A_543 = arith.constant 0 : i32
      %dma_wait3A_544 = arith.constant 0 : i32
      %dma_wait3A_545 = tpu.memref_slice %arg39[%dma_wait3A_543, %dma_wait3A_544] : memref<2048x128xf32, #tpu.memory_space<vmem_shared>> -> memref<2048x128xf32, #tpu.memory_space<vmem_shared>>
      tpu.wait_indirect_dma semaphore(%arg35 : memref<!tpu.dma_semaphore, #tpu.memory_space<semaphore_mem>>) src(%arg15 : memref<64x128xf32, #tpu.memory_space<vmem>>) dst(%dma_wait3A_545 : memref<2048x128xf32, #tpu.memory_space<vmem_shared>>)
      %add3A_546 = arith.constant 8 : i32
      %add3A_547 = arith.addi %mul3A_297, %add3A_546 : i32
      %sub3A_548 = arith.constant 2 : i32
      %sub3A_549 = arith.subi %add3A_547, %sub3A_548 : i32
      %add3A_550 = arith.constant 10 : i32
      %add3A_551 = arith.addi %sub3A_549, %add3A_550 : i32
      %dma_start3A_552 = arith.constant 0 : i32
      %dma_start3A_553 = tpu.memref_slice %arg7[%add3A_551, %dma_start3A_552] : memref<100x64xi32, #tpu.memory_space<vmem>> -> memref<1x64xi32, #tpu.memory_space<vmem>>
      %dma_start3A_554 = tpu.memref_squeeze %dma_start3A_553 : memref<1x64xi32, #tpu.memory_space<vmem>> -> memref<64xi32, #tpu.memory_space<vmem>>
      %dma_start3A_555 = arith.constant 0 : i32
      %dma_start3A_556 = arith.constant 0 : i32
      %dma_start3A_557 = tpu.memref_slice %arg2[%dma_start3A_555, %dma_start3A_556] : memref<100000x128xf32, #tpu.memory_space<hbm>> -> memref<100000x128xf32, #tpu.memory_space<hbm>>
      tpu.enqueue_indirect_dma source(%dma_start3A_557 : memref<100000x128xf32, #tpu.memory_space<hbm>>) target(%arg15 : memref<64x128xf32, #tpu.memory_space<vmem>>) offsets(%dma_start3A_554 : memref<64xi32, #tpu.memory_space<vmem>>) semaphore(%arg25 : memref<!tpu.dma_semaphore, #tpu.memory_space<semaphore_mem>>)
      %dma_start3A_558 = arith.constant 0 : i32
      %dma_start3A_559 = arith.constant 0 : i32
      %dma_start3A_560 = tpu.memref_slice %arg8[%dma_start3A_558, %dma_start3A_559] : memref<2x64xi32, #tpu.memory_space<vmem>> -> memref<1x64xi32, #tpu.memory_space<vmem>>
      %dma_start3A_561 = tpu.memref_squeeze %dma_start3A_560 : memref<1x64xi32, #tpu.memory_space<vmem>> -> memref<64xi32, #tpu.memory_space<vmem>>
      %dma_start3A_562 = arith.constant 0 : i32
      %dma_start3A_563 = arith.constant 0 : i32
      %dma_start3A_564 = tpu.memref_slice %arg39[%dma_start3A_562, %dma_start3A_563] : memref<2048x128xf32, #tpu.memory_space<vmem_shared>> -> memref<2048x128xf32, #tpu.memory_space<vmem_shared>>
      tpu.enqueue_indirect_dma source(%arg17 : memref<64x128xf32, #tpu.memory_space<vmem>>) target(%dma_start3A_564 : memref<2048x128xf32, #tpu.memory_space<vmem_shared>>) offsets(%dma_start3A_561 : memref<64xi32, #tpu.memory_space<vmem>>) semaphore(%arg37 : memref<!tpu.dma_semaphore, #tpu.memory_space<semaphore_mem>>) {add = true}
      %add3A_565 = arith.constant 9 : i32
      %add3A_566 = arith.addi %mul3A_297, %add3A_565 : i32
      %dma_wait3A_567 = arith.constant 0 : i32
      %dma_wait3A_568 = tpu.memref_slice %arg7[%add3A_566, %dma_wait3A_567] : memref<100x64xi32, #tpu.memory_space<vmem>> -> memref<1x64xi32, #tpu.memory_space<vmem>>
      %dma_wait3A_569 = tpu.memref_squeeze %dma_wait3A_568 : memref<1x64xi32, #tpu.memory_space<vmem>> -> memref<64xi32, #tpu.memory_space<vmem>>
      %dma_wait3A_570 = arith.constant 0 : i32
      %dma_wait3A_571 = arith.constant 0 : i32
      %dma_wait3A_572 = tpu.memref_slice %arg2[%dma_wait3A_570, %dma_wait3A_571] : memref<100000x128xf32, #tpu.memory_space<hbm>> -> memref<100000x128xf32, #tpu.memory_space<hbm>>
      tpu.wait_indirect_dma semaphore(%arg28 : memref<!tpu.dma_semaphore, #tpu.memory_space<semaphore_mem>>) src(%dma_wait3A_572 : memref<100000x128xf32, #tpu.memory_space<hbm>>) dst(%arg18 : memref<64x128xf32, #tpu.memory_space<vmem>>)
      %dma_wait3A_573 = arith.constant 1 : i32
      %dma_wait3A_574 = arith.constant 0 : i32
      %dma_wait3A_575 = tpu.memref_slice %arg8[%dma_wait3A_573, %dma_wait3A_574] : memref<2x64xi32, #tpu.memory_space<vmem>> -> memref<1x64xi32, #tpu.memory_space<vmem>>
      %dma_wait3A_576 = tpu.memref_squeeze %dma_wait3A_575 : memref<1x64xi32, #tpu.memory_space<vmem>> -> memref<64xi32, #tpu.memory_space<vmem>>
      %dma_wait3A_577 = arith.constant 0 : i32
      %dma_wait3A_578 = arith.constant 0 : i32
      %dma_wait3A_579 = tpu.memref_slice %arg39[%dma_wait3A_577, %dma_wait3A_578] : memref<2048x128xf32, #tpu.memory_space<vmem_shared>> -> memref<2048x128xf32, #tpu.memory_space<vmem_shared>>
      tpu.wait_indirect_dma semaphore(%arg36 : memref<!tpu.dma_semaphore, #tpu.memory_space<semaphore_mem>>) src(%arg16 : memref<64x128xf32, #tpu.memory_space<vmem>>) dst(%dma_wait3A_579 : memref<2048x128xf32, #tpu.memory_space<vmem_shared>>)
      %add3A_580 = arith.constant 9 : i32
      %add3A_581 = arith.addi %mul3A_297, %add3A_580 : i32
      %sub3A_582 = arith.constant 2 : i32
      %sub3A_583 = arith.subi %add3A_581, %sub3A_582 : i32
      %add3A_584 = arith.constant 10 : i32
      %add3A_585 = arith.addi %sub3A_583, %add3A_584 : i32
      %dma_start3A_586 = arith.constant 0 : i32
      %dma_start3A_587 = tpu.memref_slice %arg7[%add3A_585, %dma_start3A_586] : memref<100x64xi32, #tpu.memory_space<vmem>> -> memref<1x64xi32, #tpu.memory_space<vmem>>
      %dma_start3A_588 = tpu.memref_squeeze %dma_start3A_587 : memref<1x64xi32, #tpu.memory_space<vmem>> -> memref<64xi32, #tpu.memory_space<vmem>>
      %dma_start3A_589 = arith.constant 0 : i32
      %dma_start3A_590 = arith.constant 0 : i32
      %dma_start3A_591 = tpu.memref_slice %arg2[%dma_start3A_589, %dma_start3A_590] : memref<100000x128xf32, #tpu.memory_space<hbm>> -> memref<100000x128xf32, #tpu.memory_space<hbm>>
      tpu.enqueue_indirect_dma source(%dma_start3A_591 : memref<100000x128xf32, #tpu.memory_space<hbm>>) target(%arg16 : memref<64x128xf32, #tpu.memory_space<vmem>>) offsets(%dma_start3A_588 : memref<64xi32, #tpu.memory_space<vmem>>) semaphore(%arg26 : memref<!tpu.dma_semaphore, #tpu.memory_space<semaphore_mem>>)
      %dma_start3A_592 = arith.constant 1 : i32
      %dma_start3A_593 = arith.constant 0 : i32
      %dma_start3A_594 = tpu.memref_slice %arg8[%dma_start3A_592, %dma_start3A_593] : memref<2x64xi32, #tpu.memory_space<vmem>> -> memref<1x64xi32, #tpu.memory_space<vmem>>
      %dma_start3A_595 = tpu.memref_squeeze %dma_start3A_594 : memref<1x64xi32, #tpu.memory_space<vmem>> -> memref<64xi32, #tpu.memory_space<vmem>>
      %dma_start3A_596 = arith.constant 0 : i32
      %dma_start3A_597 = arith.constant 0 : i32
      %dma_start3A_598 = tpu.memref_slice %arg39[%dma_start3A_596, %dma_start3A_597] : memref<2048x128xf32, #tpu.memory_space<vmem_shared>> -> memref<2048x128xf32, #tpu.memory_space<vmem_shared>>
      tpu.enqueue_indirect_dma source(%arg18 : memref<64x128xf32, #tpu.memory_space<vmem>>) target(%dma_start3A_598 : memref<2048x128xf32, #tpu.memory_space<vmem_shared>>) offsets(%dma_start3A_595 : memref<64xi32, #tpu.memory_space<vmem>>) semaphore(%arg38 : memref<!tpu.dma_semaphore, #tpu.memory_space<semaphore_mem>>) {add = true}
      %dma_wait3A_599 = arith.constant 0 : i32
      %dma_wait3A_600 = arith.constant 0 : i32
      %dma_wait3A_601 = tpu.memref_slice %arg8[%dma_wait3A_599, %dma_wait3A_600] : memref<2x64xi32, #tpu.memory_space<vmem>> -> memref<1x64xi32, #tpu.memory_space<vmem>>
      %dma_wait3A_602 = tpu.memref_squeeze %dma_wait3A_601 : memref<1x64xi32, #tpu.memory_space<vmem>> -> memref<64xi32, #tpu.memory_space<vmem>>
      %dma_wait3A_603 = arith.constant 0 : i32
      %dma_wait3A_604 = arith.constant 0 : i32
      %dma_wait3A_605 = tpu.memref_slice %arg39[%dma_wait3A_603, %dma_wait3A_604] : memref<2048x128xf32, #tpu.memory_space<vmem_shared>> -> memref<2048x128xf32, #tpu.memory_space<vmem_shared>>
      tpu.wait_indirect_dma semaphore(%arg37 : memref<!tpu.dma_semaphore, #tpu.memory_space<semaphore_mem>>) src(%arg17 : memref<64x128xf32, #tpu.memory_space<vmem>>) dst(%dma_wait3A_605 : memref<2048x128xf32, #tpu.memory_space<vmem_shared>>)
      %add3A_606 = arith.constant 8 : i32
      %add3A_607 = arith.addi %mul3A_297, %add3A_606 : i32
      %add3A_608 = arith.constant 10 : i32
      %add3A_609 = arith.addi %add3A_607, %add3A_608 : i32
      %dma_start3A_610 = arith.constant 0 : i32
      %dma_start3A_611 = tpu.memref_slice %arg7[%add3A_609, %dma_start3A_610] : memref<100x64xi32, #tpu.memory_space<vmem>> -> memref<1x64xi32, #tpu.memory_space<vmem>>
      %dma_start3A_612 = tpu.memref_squeeze %dma_start3A_611 : memref<1x64xi32, #tpu.memory_space<vmem>> -> memref<64xi32, #tpu.memory_space<vmem>>
      %dma_start3A_613 = arith.constant 0 : i32
      %dma_start3A_614 = arith.constant 0 : i32
      %dma_start3A_615 = tpu.memref_slice %arg2[%dma_start3A_613, %dma_start3A_614] : memref<100000x128xf32, #tpu.memory_space<hbm>> -> memref<100000x128xf32, #tpu.memory_space<hbm>>
      tpu.enqueue_indirect_dma source(%dma_start3A_615 : memref<100000x128xf32, #tpu.memory_space<hbm>>) target(%arg17 : memref<64x128xf32, #tpu.memory_space<vmem>>) offsets(%dma_start3A_612 : memref<64xi32, #tpu.memory_space<vmem>>) semaphore(%arg27 : memref<!tpu.dma_semaphore, #tpu.memory_space<semaphore_mem>>)
      %dma_wait3A_616 = arith.constant 1 : i32
      %dma_wait3A_617 = arith.constant 0 : i32
      %dma_wait3A_618 = tpu.memref_slice %arg8[%dma_wait3A_616, %dma_wait3A_617] : memref<2x64xi32, #tpu.memory_space<vmem>> -> memref<1x64xi32, #tpu.memory_space<vmem>>
      %dma_wait3A_619 = tpu.memref_squeeze %dma_wait3A_618 : memref<1x64xi32, #tpu.memory_space<vmem>> -> memref<64xi32, #tpu.memory_space<vmem>>
      %dma_wait3A_620 = arith.constant 0 : i32
      %dma_wait3A_621 = arith.constant 0 : i32
      %dma_wait3A_622 = tpu.memref_slice %arg39[%dma_wait3A_620, %dma_wait3A_621] : memref<2048x128xf32, #tpu.memory_space<vmem_shared>> -> memref<2048x128xf32, #tpu.memory_space<vmem_shared>>
      tpu.wait_indirect_dma semaphore(%arg38 : memref<!tpu.dma_semaphore, #tpu.memory_space<semaphore_mem>>) src(%arg18 : memref<64x128xf32, #tpu.memory_space<vmem>>) dst(%dma_wait3A_622 : memref<2048x128xf32, #tpu.memory_space<vmem_shared>>)
      %add3A_623 = arith.constant 9 : i32
      %add3A_624 = arith.addi %mul3A_297, %add3A_623 : i32
      %add3A_625 = arith.constant 10 : i32
      %add3A_626 = arith.addi %add3A_624, %add3A_625 : i32
      %dma_start3A_627 = arith.constant 0 : i32
      %dma_start3A_628 = tpu.memref_slice %arg7[%add3A_626, %dma_start3A_627] : memref<100x64xi32, #tpu.memory_space<vmem>> -> memref<1x64xi32, #tpu.memory_space<vmem>>
      %dma_start3A_629 = tpu.memref_squeeze %dma_start3A_628 : memref<1x64xi32, #tpu.memory_space<vmem>> -> memref<64xi32, #tpu.memory_space<vmem>>
      %dma_start3A_630 = arith.constant 0 : i32
      %dma_start3A_631 = arith.constant 0 : i32
      %dma_start3A_632 = tpu.memref_slice %arg2[%dma_start3A_630, %dma_start3A_631] : memref<100000x128xf32, #tpu.memory_space<hbm>> -> memref<100000x128xf32, #tpu.memory_space<hbm>>
      tpu.enqueue_indirect_dma source(%dma_start3A_632 : memref<100000x128xf32, #tpu.memory_space<hbm>>) target(%arg18 : memref<64x128xf32, #tpu.memory_space<vmem>>) offsets(%dma_start3A_629 : memref<64xi32, #tpu.memory_space<vmem>>) semaphore(%arg28 : memref<!tpu.dma_semaphore, #tpu.memory_space<semaphore_mem>>)
    }
    %scan3A_77 = arith.constant 9 : i32
    %dma_wait3A = arith.constant 90 : i32
    %dma_wait3A_78 = arith.constant 0 : i32
    %dma_wait3A_79 = tpu.memref_slice %arg7[%dma_wait3A, %dma_wait3A_78] : memref<100x64xi32, #tpu.memory_space<vmem>> -> memref<1x64xi32, #tpu.memory_space<vmem>>
    %dma_wait3A_80 = tpu.memref_squeeze %dma_wait3A_79 : memref<1x64xi32, #tpu.memory_space<vmem>> -> memref<64xi32, #tpu.memory_space<vmem>>
    %dma_wait3A_81 = arith.constant 0 : i32
    %dma_wait3A_82 = arith.constant 0 : i32
    %dma_wait3A_83 = tpu.memref_slice %arg2[%dma_wait3A_81, %dma_wait3A_82] : memref<100000x128xf32, #tpu.memory_space<hbm>> -> memref<100000x128xf32, #tpu.memory_space<hbm>>
    tpu.wait_indirect_dma semaphore(%arg19 : memref<!tpu.dma_semaphore, #tpu.memory_space<semaphore_mem>>) src(%dma_wait3A_83 : memref<100000x128xf32, #tpu.memory_space<hbm>>) dst(%arg9 : memref<64x128xf32, #tpu.memory_space<vmem>>)
    %dma_start3A_84 = arith.constant 0 : i32
    %dma_start3A_85 = arith.constant 0 : i32
    %dma_start3A_86 = tpu.memref_slice %arg8[%dma_start3A_84, %dma_start3A_85] : memref<2x64xi32, #tpu.memory_space<vmem>> -> memref<1x64xi32, #tpu.memory_space<vmem>>
    %dma_start3A_87 = tpu.memref_squeeze %dma_start3A_86 : memref<1x64xi32, #tpu.memory_space<vmem>> -> memref<64xi32, #tpu.memory_space<vmem>>
    %dma_start3A_88 = arith.constant 0 : i32
    %dma_start3A_89 = arith.constant 0 : i32
    %dma_start3A_90 = tpu.memref_slice %arg39[%dma_start3A_88, %dma_start3A_89] : memref<2048x128xf32, #tpu.memory_space<vmem_shared>> -> memref<2048x128xf32, #tpu.memory_space<vmem_shared>>
    tpu.enqueue_indirect_dma source(%arg9 : memref<64x128xf32, #tpu.memory_space<vmem>>) target(%dma_start3A_90 : memref<2048x128xf32, #tpu.memory_space<vmem_shared>>) offsets(%dma_start3A_87 : memref<64xi32, #tpu.memory_space<vmem>>) semaphore(%arg29 : memref<!tpu.dma_semaphore, #tpu.memory_space<semaphore_mem>>) {add = true}
    %dma_wait3A_91 = arith.constant 91 : i32
    %dma_wait3A_92 = arith.constant 0 : i32
    %dma_wait3A_93 = tpu.memref_slice %arg7[%dma_wait3A_91, %dma_wait3A_92] : memref<100x64xi32, #tpu.memory_space<vmem>> -> memref<1x64xi32, #tpu.memory_space<vmem>>
    %dma_wait3A_94 = tpu.memref_squeeze %dma_wait3A_93 : memref<1x64xi32, #tpu.memory_space<vmem>> -> memref<64xi32, #tpu.memory_space<vmem>>
    %dma_wait3A_95 = arith.constant 0 : i32
    %dma_wait3A_96 = arith.constant 0 : i32
    %dma_wait3A_97 = tpu.memref_slice %arg2[%dma_wait3A_95, %dma_wait3A_96] : memref<100000x128xf32, #tpu.memory_space<hbm>> -> memref<100000x128xf32, #tpu.memory_space<hbm>>
    tpu.wait_indirect_dma semaphore(%arg20 : memref<!tpu.dma_semaphore, #tpu.memory_space<semaphore_mem>>) src(%dma_wait3A_97 : memref<100000x128xf32, #tpu.memory_space<hbm>>) dst(%arg10 : memref<64x128xf32, #tpu.memory_space<vmem>>)
    %dma_start3A_98 = arith.constant 1 : i32
    %dma_start3A_99 = arith.constant 0 : i32
    %dma_start3A_100 = tpu.memref_slice %arg8[%dma_start3A_98, %dma_start3A_99] : memref<2x64xi32, #tpu.memory_space<vmem>> -> memref<1x64xi32, #tpu.memory_space<vmem>>
    %dma_start3A_101 = tpu.memref_squeeze %dma_start3A_100 : memref<1x64xi32, #tpu.memory_space<vmem>> -> memref<64xi32, #tpu.memory_space<vmem>>
    %dma_start3A_102 = arith.constant 0 : i32
    %dma_start3A_103 = arith.constant 0 : i32
    %dma_start3A_104 = tpu.memref_slice %arg39[%dma_start3A_102, %dma_start3A_103] : memref<2048x128xf32, #tpu.memory_space<vmem_shared>> -> memref<2048x128xf32, #tpu.memory_space<vmem_shared>>
    tpu.enqueue_indirect_dma source(%arg10 : memref<64x128xf32, #tpu.memory_space<vmem>>) target(%dma_start3A_104 : memref<2048x128xf32, #tpu.memory_space<vmem_shared>>) offsets(%dma_start3A_101 : memref<64xi32, #tpu.memory_space<vmem>>) semaphore(%arg30 : memref<!tpu.dma_semaphore, #tpu.memory_space<semaphore_mem>>) {add = true}
    %dma_wait3A_105 = arith.constant 92 : i32
    %dma_wait3A_106 = arith.constant 0 : i32
    %dma_wait3A_107 = tpu.memref_slice %arg7[%dma_wait3A_105, %dma_wait3A_106] : memref<100x64xi32, #tpu.memory_space<vmem>> -> memref<1x64xi32, #tpu.memory_space<vmem>>
    %dma_wait3A_108 = tpu.memref_squeeze %dma_wait3A_107 : memref<1x64xi32, #tpu.memory_space<vmem>> -> memref<64xi32, #tpu.memory_space<vmem>>
    %dma_wait3A_109 = arith.constant 0 : i32
    %dma_wait3A_110 = arith.constant 0 : i32
    %dma_wait3A_111 = tpu.memref_slice %arg2[%dma_wait3A_109, %dma_wait3A_110] : memref<100000x128xf32, #tpu.memory_space<hbm>> -> memref<100000x128xf32, #tpu.memory_space<hbm>>
    tpu.wait_indirect_dma semaphore(%arg21 : memref<!tpu.dma_semaphore, #tpu.memory_space<semaphore_mem>>) src(%dma_wait3A_111 : memref<100000x128xf32, #tpu.memory_space<hbm>>) dst(%arg11 : memref<64x128xf32, #tpu.memory_space<vmem>>)
    %dma_wait3A_112 = arith.constant 0 : i32
    %dma_wait3A_113 = arith.constant 0 : i32
    %dma_wait3A_114 = tpu.memref_slice %arg8[%dma_wait3A_112, %dma_wait3A_113] : memref<2x64xi32, #tpu.memory_space<vmem>> -> memref<1x64xi32, #tpu.memory_space<vmem>>
    %dma_wait3A_115 = tpu.memref_squeeze %dma_wait3A_114 : memref<1x64xi32, #tpu.memory_space<vmem>> -> memref<64xi32, #tpu.memory_space<vmem>>
    %dma_wait3A_116 = arith.constant 0 : i32
    %dma_wait3A_117 = arith.constant 0 : i32
    %dma_wait3A_118 = tpu.memref_slice %arg39[%dma_wait3A_116, %dma_wait3A_117] : memref<2048x128xf32, #tpu.memory_space<vmem_shared>> -> memref<2048x128xf32, #tpu.memory_space<vmem_shared>>
    tpu.wait_indirect_dma semaphore(%arg29 : memref<!tpu.dma_semaphore, #tpu.memory_space<semaphore_mem>>) src(%arg9 : memref<64x128xf32, #tpu.memory_space<vmem>>) dst(%dma_wait3A_118 : memref<2048x128xf32, #tpu.memory_space<vmem_shared>>)
    %dma_start3A_119 = arith.constant 0 : i32
    %dma_start3A_120 = arith.constant 0 : i32
    %dma_start3A_121 = tpu.memref_slice %arg8[%dma_start3A_119, %dma_start3A_120] : memref<2x64xi32, #tpu.memory_space<vmem>> -> memref<1x64xi32, #tpu.memory_space<vmem>>
    %dma_start3A_122 = tpu.memref_squeeze %dma_start3A_121 : memref<1x64xi32, #tpu.memory_space<vmem>> -> memref<64xi32, #tpu.memory_space<vmem>>
    %dma_start3A_123 = arith.constant 0 : i32
    %dma_start3A_124 = arith.constant 0 : i32
    %dma_start3A_125 = tpu.memref_slice %arg39[%dma_start3A_123, %dma_start3A_124] : memref<2048x128xf32, #tpu.memory_space<vmem_shared>> -> memref<2048x128xf32, #tpu.memory_space<vmem_shared>>
    tpu.enqueue_indirect_dma source(%arg11 : memref<64x128xf32, #tpu.memory_space<vmem>>) target(%dma_start3A_125 : memref<2048x128xf32, #tpu.memory_space<vmem_shared>>) offsets(%dma_start3A_122 : memref<64xi32, #tpu.memory_space<vmem>>) semaphore(%arg31 : memref<!tpu.dma_semaphore, #tpu.memory_space<semaphore_mem>>) {add = true}
    %dma_wait3A_126 = arith.constant 93 : i32
    %dma_wait3A_127 = arith.constant 0 : i32
    %dma_wait3A_128 = tpu.memref_slice %arg7[%dma_wait3A_126, %dma_wait3A_127] : memref<100x64xi32, #tpu.memory_space<vmem>> -> memref<1x64xi32, #tpu.memory_space<vmem>>
    %dma_wait3A_129 = tpu.memref_squeeze %dma_wait3A_128 : memref<1x64xi32, #tpu.memory_space<vmem>> -> memref<64xi32, #tpu.memory_space<vmem>>
    %dma_wait3A_130 = arith.constant 0 : i32
    %dma_wait3A_131 = arith.constant 0 : i32
    %dma_wait3A_132 = tpu.memref_slice %arg2[%dma_wait3A_130, %dma_wait3A_131] : memref<100000x128xf32, #tpu.memory_space<hbm>> -> memref<100000x128xf32, #tpu.memory_space<hbm>>
    tpu.wait_indirect_dma semaphore(%arg22 : memref<!tpu.dma_semaphore, #tpu.memory_space<semaphore_mem>>) src(%dma_wait3A_132 : memref<100000x128xf32, #tpu.memory_space<hbm>>) dst(%arg12 : memref<64x128xf32, #tpu.memory_space<vmem>>)
    %dma_wait3A_133 = arith.constant 1 : i32
    %dma_wait3A_134 = arith.constant 0 : i32
    %dma_wait3A_135 = tpu.memref_slice %arg8[%dma_wait3A_133, %dma_wait3A_134] : memref<2x64xi32, #tpu.memory_space<vmem>> -> memref<1x64xi32, #tpu.memory_space<vmem>>
    %dma_wait3A_136 = tpu.memref_squeeze %dma_wait3A_135 : memref<1x64xi32, #tpu.memory_space<vmem>> -> memref<64xi32, #tpu.memory_space<vmem>>
    %dma_wait3A_137 = arith.constant 0 : i32
    %dma_wait3A_138 = arith.constant 0 : i32
    %dma_wait3A_139 = tpu.memref_slice %arg39[%dma_wait3A_137, %dma_wait3A_138] : memref<2048x128xf32, #tpu.memory_space<vmem_shared>> -> memref<2048x128xf32, #tpu.memory_space<vmem_shared>>
    tpu.wait_indirect_dma semaphore(%arg30 : memref<!tpu.dma_semaphore, #tpu.memory_space<semaphore_mem>>) src(%arg10 : memref<64x128xf32, #tpu.memory_space<vmem>>) dst(%dma_wait3A_139 : memref<2048x128xf32, #tpu.memory_space<vmem_shared>>)
    %dma_start3A_140 = arith.constant 1 : i32
    %dma_start3A_141 = arith.constant 0 : i32
    %dma_start3A_142 = tpu.memref_slice %arg8[%dma_start3A_140, %dma_start3A_141] : memref<2x64xi32, #tpu.memory_space<vmem>> -> memref<1x64xi32, #tpu.memory_space<vmem>>
    %dma_start3A_143 = tpu.memref_squeeze %dma_start3A_142 : memref<1x64xi32, #tpu.memory_space<vmem>> -> memref<64xi32, #tpu.memory_space<vmem>>
    %dma_start3A_144 = arith.constant 0 : i32
    %dma_start3A_145 = arith.constant 0 : i32
    %dma_start3A_146 = tpu.memref_slice %arg39[%dma_start3A_144, %dma_start3A_145] : memref<2048x128xf32, #tpu.memory_space<vmem_shared>> -> memref<2048x128xf32, #tpu.memory_space<vmem_shared>>
    tpu.enqueue_indirect_dma source(%arg12 : memref<64x128xf32, #tpu.memory_space<vmem>>) target(%dma_start3A_146 : memref<2048x128xf32, #tpu.memory_space<vmem_shared>>) offsets(%dma_start3A_143 : memref<64xi32, #tpu.memory_space<vmem>>) semaphore(%arg32 : memref<!tpu.dma_semaphore, #tpu.memory_space<semaphore_mem>>) {add = true}
    %dma_wait3A_147 = arith.constant 94 : i32
    %dma_wait3A_148 = arith.constant 0 : i32
    %dma_wait3A_149 = tpu.memref_slice %arg7[%dma_wait3A_147, %dma_wait3A_148] : memref<100x64xi32, #tpu.memory_space<vmem>> -> memref<1x64xi32, #tpu.memory_space<vmem>>
    %dma_wait3A_150 = tpu.memref_squeeze %dma_wait3A_149 : memref<1x64xi32, #tpu.memory_space<vmem>> -> memref<64xi32, #tpu.memory_space<vmem>>
    %dma_wait3A_151 = arith.constant 0 : i32
    %dma_wait3A_152 = arith.constant 0 : i32
    %dma_wait3A_153 = tpu.memref_slice %arg2[%dma_wait3A_151, %dma_wait3A_152] : memref<100000x128xf32, #tpu.memory_space<hbm>> -> memref<100000x128xf32, #tpu.memory_space<hbm>>
    tpu.wait_indirect_dma semaphore(%arg23 : memref<!tpu.dma_semaphore, #tpu.memory_space<semaphore_mem>>) src(%dma_wait3A_153 : memref<100000x128xf32, #tpu.memory_space<hbm>>) dst(%arg13 : memref<64x128xf32, #tpu.memory_space<vmem>>)
    %dma_wait3A_154 = arith.constant 0 : i32
    %dma_wait3A_155 = arith.constant 0 : i32
    %dma_wait3A_156 = tpu.memref_slice %arg8[%dma_wait3A_154, %dma_wait3A_155] : memref<2x64xi32, #tpu.memory_space<vmem>> -> memref<1x64xi32, #tpu.memory_space<vmem>>
    %dma_wait3A_157 = tpu.memref_squeeze %dma_wait3A_156 : memref<1x64xi32, #tpu.memory_space<vmem>> -> memref<64xi32, #tpu.memory_space<vmem>>
    %dma_wait3A_158 = arith.constant 0 : i32
    %dma_wait3A_159 = arith.constant 0 : i32
    %dma_wait3A_160 = tpu.memref_slice %arg39[%dma_wait3A_158, %dma_wait3A_159] : memref<2048x128xf32, #tpu.memory_space<vmem_shared>> -> memref<2048x128xf32, #tpu.memory_space<vmem_shared>>
    tpu.wait_indirect_dma semaphore(%arg31 : memref<!tpu.dma_semaphore, #tpu.memory_space<semaphore_mem>>) src(%arg11 : memref<64x128xf32, #tpu.memory_space<vmem>>) dst(%dma_wait3A_160 : memref<2048x128xf32, #tpu.memory_space<vmem_shared>>)
    %dma_start3A_161 = arith.constant 0 : i32
    %dma_start3A_162 = arith.constant 0 : i32
    %dma_start3A_163 = tpu.memref_slice %arg8[%dma_start3A_161, %dma_start3A_162] : memref<2x64xi32, #tpu.memory_space<vmem>> -> memref<1x64xi32, #tpu.memory_space<vmem>>
    %dma_start3A_164 = tpu.memref_squeeze %dma_start3A_163 : memref<1x64xi32, #tpu.memory_space<vmem>> -> memref<64xi32, #tpu.memory_space<vmem>>
    %dma_start3A_165 = arith.constant 0 : i32
    %dma_start3A_166 = arith.constant 0 : i32
    %dma_start3A_167 = tpu.memref_slice %arg39[%dma_start3A_165, %dma_start3A_166] : memref<2048x128xf32, #tpu.memory_space<vmem_shared>> -> memref<2048x128xf32, #tpu.memory_space<vmem_shared>>
    tpu.enqueue_indirect_dma source(%arg13 : memref<64x128xf32, #tpu.memory_space<vmem>>) target(%dma_start3A_167 : memref<2048x128xf32, #tpu.memory_space<vmem_shared>>) offsets(%dma_start3A_164 : memref<64xi32, #tpu.memory_space<vmem>>) semaphore(%arg33 : memref<!tpu.dma_semaphore, #tpu.memory_space<semaphore_mem>>) {add = true}
    %dma_wait3A_168 = arith.constant 95 : i32
    %dma_wait3A_169 = arith.constant 0 : i32
    %dma_wait3A_170 = tpu.memref_slice %arg7[%dma_wait3A_168, %dma_wait3A_169] : memref<100x64xi32, #tpu.memory_space<vmem>> -> memref<1x64xi32, #tpu.memory_space<vmem>>
    %dma_wait3A_171 = tpu.memref_squeeze %dma_wait3A_170 : memref<1x64xi32, #tpu.memory_space<vmem>> -> memref<64xi32, #tpu.memory_space<vmem>>
    %dma_wait3A_172 = arith.constant 0 : i32
    %dma_wait3A_173 = arith.constant 0 : i32
    %dma_wait3A_174 = tpu.memref_slice %arg2[%dma_wait3A_172, %dma_wait3A_173] : memref<100000x128xf32, #tpu.memory_space<hbm>> -> memref<100000x128xf32, #tpu.memory_space<hbm>>
    tpu.wait_indirect_dma semaphore(%arg24 : memref<!tpu.dma_semaphore, #tpu.memory_space<semaphore_mem>>) src(%dma_wait3A_174 : memref<100000x128xf32, #tpu.memory_space<hbm>>) dst(%arg14 : memref<64x128xf32, #tpu.memory_space<vmem>>)
    %dma_wait3A_175 = arith.constant 1 : i32
    %dma_wait3A_176 = arith.constant 0 : i32
    %dma_wait3A_177 = tpu.memref_slice %arg8[%dma_wait3A_175, %dma_wait3A_176] : memref<2x64xi32, #tpu.memory_space<vmem>> -> memref<1x64xi32, #tpu.memory_space<vmem>>
    %dma_wait3A_178 = tpu.memref_squeeze %dma_wait3A_177 : memref<1x64xi32, #tpu.memory_space<vmem>> -> memref<64xi32, #tpu.memory_space<vmem>>
    %dma_wait3A_179 = arith.constant 0 : i32
    %dma_wait3A_180 = arith.constant 0 : i32
    %dma_wait3A_181 = tpu.memref_slice %arg39[%dma_wait3A_179, %dma_wait3A_180] : memref<2048x128xf32, #tpu.memory_space<vmem_shared>> -> memref<2048x128xf32, #tpu.memory_space<vmem_shared>>
    tpu.wait_indirect_dma semaphore(%arg32 : memref<!tpu.dma_semaphore, #tpu.memory_space<semaphore_mem>>) src(%arg12 : memref<64x128xf32, #tpu.memory_space<vmem>>) dst(%dma_wait3A_181 : memref<2048x128xf32, #tpu.memory_space<vmem_shared>>)
    %dma_start3A_182 = arith.constant 1 : i32
    %dma_start3A_183 = arith.constant 0 : i32
    %dma_start3A_184 = tpu.memref_slice %arg8[%dma_start3A_182, %dma_start3A_183] : memref<2x64xi32, #tpu.memory_space<vmem>> -> memref<1x64xi32, #tpu.memory_space<vmem>>
    %dma_start3A_185 = tpu.memref_squeeze %dma_start3A_184 : memref<1x64xi32, #tpu.memory_space<vmem>> -> memref<64xi32, #tpu.memory_space<vmem>>
    %dma_start3A_186 = arith.constant 0 : i32
    %dma_start3A_187 = arith.constant 0 : i32
    %dma_start3A_188 = tpu.memref_slice %arg39[%dma_start3A_186, %dma_start3A_187] : memref<2048x128xf32, #tpu.memory_space<vmem_shared>> -> memref<2048x128xf32, #tpu.memory_space<vmem_shared>>
    tpu.enqueue_indirect_dma source(%arg14 : memref<64x128xf32, #tpu.memory_space<vmem>>) target(%dma_start3A_188 : memref<2048x128xf32, #tpu.memory_space<vmem_shared>>) offsets(%dma_start3A_185 : memref<64xi32, #tpu.memory_space<vmem>>) semaphore(%arg34 : memref<!tpu.dma_semaphore, #tpu.memory_space<semaphore_mem>>) {add = true}
    %dma_wait3A_189 = arith.constant 96 : i32
    %dma_wait3A_190 = arith.constant 0 : i32
    %dma_wait3A_191 = tpu.memref_slice %arg7[%dma_wait3A_189, %dma_wait3A_190] : memref<100x64xi32, #tpu.memory_space<vmem>> -> memref<1x64xi32, #tpu.memory_space<vmem>>
    %dma_wait3A_192 = tpu.memref_squeeze %dma_wait3A_191 : memref<1x64xi32, #tpu.memory_space<vmem>> -> memref<64xi32, #tpu.memory_space<vmem>>
    %dma_wait3A_193 = arith.constant 0 : i32
    %dma_wait3A_194 = arith.constant 0 : i32
    %dma_wait3A_195 = tpu.memref_slice %arg2[%dma_wait3A_193, %dma_wait3A_194] : memref<100000x128xf32, #tpu.memory_space<hbm>> -> memref<100000x128xf32, #tpu.memory_space<hbm>>
    tpu.wait_indirect_dma semaphore(%arg25 : memref<!tpu.dma_semaphore, #tpu.memory_space<semaphore_mem>>) src(%dma_wait3A_195 : memref<100000x128xf32, #tpu.memory_space<hbm>>) dst(%arg15 : memref<64x128xf32, #tpu.memory_space<vmem>>)
    %dma_wait3A_196 = arith.constant 0 : i32
    %dma_wait3A_197 = arith.constant 0 : i32
    %dma_wait3A_198 = tpu.memref_slice %arg8[%dma_wait3A_196, %dma_wait3A_197] : memref<2x64xi32, #tpu.memory_space<vmem>> -> memref<1x64xi32, #tpu.memory_space<vmem>>
    %dma_wait3A_199 = tpu.memref_squeeze %dma_wait3A_198 : memref<1x64xi32, #tpu.memory_space<vmem>> -> memref<64xi32, #tpu.memory_space<vmem>>
    %dma_wait3A_200 = arith.constant 0 : i32
    %dma_wait3A_201 = arith.constant 0 : i32
    %dma_wait3A_202 = tpu.memref_slice %arg39[%dma_wait3A_200, %dma_wait3A_201] : memref<2048x128xf32, #tpu.memory_space<vmem_shared>> -> memref<2048x128xf32, #tpu.memory_space<vmem_shared>>
    tpu.wait_indirect_dma semaphore(%arg33 : memref<!tpu.dma_semaphore, #tpu.memory_space<semaphore_mem>>) src(%arg13 : memref<64x128xf32, #tpu.memory_space<vmem>>) dst(%dma_wait3A_202 : memref<2048x128xf32, #tpu.memory_space<vmem_shared>>)
    %dma_start3A_203 = arith.constant 0 : i32
    %dma_start3A_204 = arith.constant 0 : i32
    %dma_start3A_205 = tpu.memref_slice %arg8[%dma_start3A_203, %dma_start3A_204] : memref<2x64xi32, #tpu.memory_space<vmem>> -> memref<1x64xi32, #tpu.memory_space<vmem>>
    %dma_start3A_206 = tpu.memref_squeeze %dma_start3A_205 : memref<1x64xi32, #tpu.memory_space<vmem>> -> memref<64xi32, #tpu.memory_space<vmem>>
    %dma_start3A_207 = arith.constant 0 : i32
    %dma_start3A_208 = arith.constant 0 : i32
    %dma_start3A_209 = tpu.memref_slice %arg39[%dma_start3A_207, %dma_start3A_208] : memref<2048x128xf32, #tpu.memory_space<vmem_shared>> -> memref<2048x128xf32, #tpu.memory_space<vmem_shared>>
    tpu.enqueue_indirect_dma source(%arg15 : memref<64x128xf32, #tpu.memory_space<vmem>>) target(%dma_start3A_209 : memref<2048x128xf32, #tpu.memory_space<vmem_shared>>) offsets(%dma_start3A_206 : memref<64xi32, #tpu.memory_space<vmem>>) semaphore(%arg35 : memref<!tpu.dma_semaphore, #tpu.memory_space<semaphore_mem>>) {add = true}
    %dma_wait3A_210 = arith.constant 97 : i32
    %dma_wait3A_211 = arith.constant 0 : i32
    %dma_wait3A_212 = tpu.memref_slice %arg7[%dma_wait3A_210, %dma_wait3A_211] : memref<100x64xi32, #tpu.memory_space<vmem>> -> memref<1x64xi32, #tpu.memory_space<vmem>>
    %dma_wait3A_213 = tpu.memref_squeeze %dma_wait3A_212 : memref<1x64xi32, #tpu.memory_space<vmem>> -> memref<64xi32, #tpu.memory_space<vmem>>
    %dma_wait3A_214 = arith.constant 0 : i32
    %dma_wait3A_215 = arith.constant 0 : i32
    %dma_wait3A_216 = tpu.memref_slice %arg2[%dma_wait3A_214, %dma_wait3A_215] : memref<100000x128xf32, #tpu.memory_space<hbm>> -> memref<100000x128xf32, #tpu.memory_space<hbm>>
    tpu.wait_indirect_dma semaphore(%arg26 : memref<!tpu.dma_semaphore, #tpu.memory_space<semaphore_mem>>) src(%dma_wait3A_216 : memref<100000x128xf32, #tpu.memory_space<hbm>>) dst(%arg16 : memref<64x128xf32, #tpu.memory_space<vmem>>)
    %dma_wait3A_217 = arith.constant 1 : i32
    %dma_wait3A_218 = arith.constant 0 : i32
    %dma_wait3A_219 = tpu.memref_slice %arg8[%dma_wait3A_217, %dma_wait3A_218] : memref<2x64xi32, #tpu.memory_space<vmem>> -> memref<1x64xi32, #tpu.memory_space<vmem>>
    %dma_wait3A_220 = tpu.memref_squeeze %dma_wait3A_219 : memref<1x64xi32, #tpu.memory_space<vmem>> -> memref<64xi32, #tpu.memory_space<vmem>>
    %dma_wait3A_221 = arith.constant 0 : i32
    %dma_wait3A_222 = arith.constant 0 : i32
    %dma_wait3A_223 = tpu.memref_slice %arg39[%dma_wait3A_221, %dma_wait3A_222] : memref<2048x128xf32, #tpu.memory_space<vmem_shared>> -> memref<2048x128xf32, #tpu.memory_space<vmem_shared>>
    tpu.wait_indirect_dma semaphore(%arg34 : memref<!tpu.dma_semaphore, #tpu.memory_space<semaphore_mem>>) src(%arg14 : memref<64x128xf32, #tpu.memory_space<vmem>>) dst(%dma_wait3A_223 : memref<2048x128xf32, #tpu.memory_space<vmem_shared>>)
    %dma_start3A_224 = arith.constant 1 : i32
    %dma_start3A_225 = arith.constant 0 : i32
    %dma_start3A_226 = tpu.memref_slice %arg8[%dma_start3A_224, %dma_start3A_225] : memref<2x64xi32, #tpu.memory_space<vmem>> -> memref<1x64xi32, #tpu.memory_space<vmem>>
    %dma_start3A_227 = tpu.memref_squeeze %dma_start3A_226 : memref<1x64xi32, #tpu.memory_space<vmem>> -> memref<64xi32, #tpu.memory_space<vmem>>
    %dma_start3A_228 = arith.constant 0 : i32
    %dma_start3A_229 = arith.constant 0 : i32
    %dma_start3A_230 = tpu.memref_slice %arg39[%dma_start3A_228, %dma_start3A_229] : memref<2048x128xf32, #tpu.memory_space<vmem_shared>> -> memref<2048x128xf32, #tpu.memory_space<vmem_shared>>
    tpu.enqueue_indirect_dma source(%arg16 : memref<64x128xf32, #tpu.memory_space<vmem>>) target(%dma_start3A_230 : memref<2048x128xf32, #tpu.memory_space<vmem_shared>>) offsets(%dma_start3A_227 : memref<64xi32, #tpu.memory_space<vmem>>) semaphore(%arg36 : memref<!tpu.dma_semaphore, #tpu.memory_space<semaphore_mem>>) {add = true}
    %dma_wait3A_231 = arith.constant 98 : i32
    %dma_wait3A_232 = arith.constant 0 : i32
    %dma_wait3A_233 = tpu.memref_slice %arg7[%dma_wait3A_231, %dma_wait3A_232] : memref<100x64xi32, #tpu.memory_space<vmem>> -> memref<1x64xi32, #tpu.memory_space<vmem>>
    %dma_wait3A_234 = tpu.memref_squeeze %dma_wait3A_233 : memref<1x64xi32, #tpu.memory_space<vmem>> -> memref<64xi32, #tpu.memory_space<vmem>>
    %dma_wait3A_235 = arith.constant 0 : i32
    %dma_wait3A_236 = arith.constant 0 : i32
    %dma_wait3A_237 = tpu.memref_slice %arg2[%dma_wait3A_235, %dma_wait3A_236] : memref<100000x128xf32, #tpu.memory_space<hbm>> -> memref<100000x128xf32, #tpu.memory_space<hbm>>
    tpu.wait_indirect_dma semaphore(%arg27 : memref<!tpu.dma_semaphore, #tpu.memory_space<semaphore_mem>>) src(%dma_wait3A_237 : memref<100000x128xf32, #tpu.memory_space<hbm>>) dst(%arg17 : memref<64x128xf32, #tpu.memory_space<vmem>>)
    %dma_wait3A_238 = arith.constant 0 : i32
    %dma_wait3A_239 = arith.constant 0 : i32
    %dma_wait3A_240 = tpu.memref_slice %arg8[%dma_wait3A_238, %dma_wait3A_239] : memref<2x64xi32, #tpu.memory_space<vmem>> -> memref<1x64xi32, #tpu.memory_space<vmem>>
    %dma_wait3A_241 = tpu.memref_squeeze %dma_wait3A_240 : memref<1x64xi32, #tpu.memory_space<vmem>> -> memref<64xi32, #tpu.memory_space<vmem>>
    %dma_wait3A_242 = arith.constant 0 : i32
    %dma_wait3A_243 = arith.constant 0 : i32
    %dma_wait3A_244 = tpu.memref_slice %arg39[%dma_wait3A_242, %dma_wait3A_243] : memref<2048x128xf32, #tpu.memory_space<vmem_shared>> -> memref<2048x128xf32, #tpu.memory_space<vmem_shared>>
    tpu.wait_indirect_dma semaphore(%arg35 : memref<!tpu.dma_semaphore, #tpu.memory_space<semaphore_mem>>) src(%arg15 : memref<64x128xf32, #tpu.memory_space<vmem>>) dst(%dma_wait3A_244 : memref<2048x128xf32, #tpu.memory_space<vmem_shared>>)
    %dma_start3A_245 = arith.constant 0 : i32
    %dma_start3A_246 = arith.constant 0 : i32
    %dma_start3A_247 = tpu.memref_slice %arg8[%dma_start3A_245, %dma_start3A_246] : memref<2x64xi32, #tpu.memory_space<vmem>> -> memref<1x64xi32, #tpu.memory_space<vmem>>
    %dma_start3A_248 = tpu.memref_squeeze %dma_start3A_247 : memref<1x64xi32, #tpu.memory_space<vmem>> -> memref<64xi32, #tpu.memory_space<vmem>>
    %dma_start3A_249 = arith.constant 0 : i32
    %dma_start3A_250 = arith.constant 0 : i32
    %dma_start3A_251 = tpu.memref_slice %arg39[%dma_start3A_249, %dma_start3A_250] : memref<2048x128xf32, #tpu.memory_space<vmem_shared>> -> memref<2048x128xf32, #tpu.memory_space<vmem_shared>>
    tpu.enqueue_indirect_dma source(%arg17 : memref<64x128xf32, #tpu.memory_space<vmem>>) target(%dma_start3A_251 : memref<2048x128xf32, #tpu.memory_space<vmem_shared>>) offsets(%dma_start3A_248 : memref<64xi32, #tpu.memory_space<vmem>>) semaphore(%arg37 : memref<!tpu.dma_semaphore, #tpu.memory_space<semaphore_mem>>) {add = true}
    %dma_wait3A_252 = arith.constant 99 : i32
    %dma_wait3A_253 = arith.constant 0 : i32
    %dma_wait3A_254 = tpu.memref_slice %arg7[%dma_wait3A_252, %dma_wait3A_253] : memref<100x64xi32, #tpu.memory_space<vmem>> -> memref<1x64xi32, #tpu.memory_space<vmem>>
    %dma_wait3A_255 = tpu.memref_squeeze %dma_wait3A_254 : memref<1x64xi32, #tpu.memory_space<vmem>> -> memref<64xi32, #tpu.memory_space<vmem>>
    %dma_wait3A_256 = arith.constant 0 : i32
    %dma_wait3A_257 = arith.constant 0 : i32
    %dma_wait3A_258 = tpu.memref_slice %arg2[%dma_wait3A_256, %dma_wait3A_257] : memref<100000x128xf32, #tpu.memory_space<hbm>> -> memref<100000x128xf32, #tpu.memory_space<hbm>>
    tpu.wait_indirect_dma semaphore(%arg28 : memref<!tpu.dma_semaphore, #tpu.memory_space<semaphore_mem>>) src(%dma_wait3A_258 : memref<100000x128xf32, #tpu.memory_space<hbm>>) dst(%arg18 : memref<64x128xf32, #tpu.memory_space<vmem>>)
    %dma_wait3A_259 = arith.constant 1 : i32
    %dma_wait3A_260 = arith.constant 0 : i32
    %dma_wait3A_261 = tpu.memref_slice %arg8[%dma_wait3A_259, %dma_wait3A_260] : memref<2x64xi32, #tpu.memory_space<vmem>> -> memref<1x64xi32, #tpu.memory_space<vmem>>
    %dma_wait3A_262 = tpu.memref_squeeze %dma_wait3A_261 : memref<1x64xi32, #tpu.memory_space<vmem>> -> memref<64xi32, #tpu.memory_space<vmem>>
    %dma_wait3A_263 = arith.constant 0 : i32
    %dma_wait3A_264 = arith.constant 0 : i32
    %dma_wait3A_265 = tpu.memref_slice %arg39[%dma_wait3A_263, %dma_wait3A_264] : memref<2048x128xf32, #tpu.memory_space<vmem_shared>> -> memref<2048x128xf32, #tpu.memory_space<vmem_shared>>
    tpu.wait_indirect_dma semaphore(%arg36 : memref<!tpu.dma_semaphore, #tpu.memory_space<semaphore_mem>>) src(%arg16 : memref<64x128xf32, #tpu.memory_space<vmem>>) dst(%dma_wait3A_265 : memref<2048x128xf32, #tpu.memory_space<vmem_shared>>)
    %dma_start3A_266 = arith.constant 1 : i32
    %dma_start3A_267 = arith.constant 0 : i32
    %dma_start3A_268 = tpu.memref_slice %arg8[%dma_start3A_266, %dma_start3A_267] : memref<2x64xi32, #tpu.memory_space<vmem>> -> memref<1x64xi32, #tpu.memory_space<vmem>>
    %dma_start3A_269 = tpu.memref_squeeze %dma_start3A_268 : memref<1x64xi32, #tpu.memory_space<vmem>> -> memref<64xi32, #tpu.memory_space<vmem>>
    %dma_start3A_270 = arith.constant 0 : i32
    %dma_start3A_271 = arith.constant 0 : i32
    %dma_start3A_272 = tpu.memref_slice %arg39[%dma_start3A_270, %dma_start3A_271] : memref<2048x128xf32, #tpu.memory_space<vmem_shared>> -> memref<2048x128xf32, #tpu.memory_space<vmem_shared>>
    tpu.enqueue_indirect_dma source(%arg18 : memref<64x128xf32, #tpu.memory_space<vmem>>) target(%dma_start3A_272 : memref<2048x128xf32, #tpu.memory_space<vmem_shared>>) offsets(%dma_start3A_269 : memref<64xi32, #tpu.memory_space<vmem>>) semaphore(%arg38 : memref<!tpu.dma_semaphore, #tpu.memory_space<semaphore_mem>>) {add = true}
    %dma_wait3A_273 = arith.constant 0 : i32
    %dma_wait3A_274 = arith.constant 0 : i32
    %dma_wait3A_275 = tpu.memref_slice %arg8[%dma_wait3A_273, %dma_wait3A_274] : memref<2x64xi32, #tpu.memory_space<vmem>> -> memref<1x64xi32, #tpu.memory_space<vmem>>
    %dma_wait3A_276 = tpu.memref_squeeze %dma_wait3A_275 : memref<1x64xi32, #tpu.memory_space<vmem>> -> memref<64xi32, #tpu.memory_space<vmem>>
    %dma_wait3A_277 = arith.constant 0 : i32
    %dma_wait3A_278 = arith.constant 0 : i32
    %dma_wait3A_279 = tpu.memref_slice %arg39[%dma_wait3A_277, %dma_wait3A_278] : memref<2048x128xf32, #tpu.memory_space<vmem_shared>> -> memref<2048x128xf32, #tpu.memory_space<vmem_shared>>
    tpu.wait_indirect_dma semaphore(%arg37 : memref<!tpu.dma_semaphore, #tpu.memory_space<semaphore_mem>>) src(%arg17 : memref<64x128xf32, #tpu.memory_space<vmem>>) dst(%dma_wait3A_279 : memref<2048x128xf32, #tpu.memory_space<vmem_shared>>)
    %dma_wait3A_280 = arith.constant 1 : i32
    %dma_wait3A_281 = arith.constant 0 : i32
    %dma_wait3A_282 = tpu.memref_slice %arg8[%dma_wait3A_280, %dma_wait3A_281] : memref<2x64xi32, #tpu.memory_space<vmem>> -> memref<1x64xi32, #tpu.memory_space<vmem>>
    %dma_wait3A_283 = tpu.memref_squeeze %dma_wait3A_282 : memref<1x64xi32, #tpu.memory_space<vmem>> -> memref<64xi32, #tpu.memory_space<vmem>>
    %dma_wait3A_284 = arith.constant 0 : i32
    %dma_wait3A_285 = arith.constant 0 : i32
    %dma_wait3A_286 = tpu.memref_slice %arg39[%dma_wait3A_284, %dma_wait3A_285] : memref<2048x128xf32, #tpu.memory_space<vmem_shared>> -> memref<2048x128xf32, #tpu.memory_space<vmem_shared>>
    tpu.wait_indirect_dma semaphore(%arg38 : memref<!tpu.dma_semaphore, #tpu.memory_space<semaphore_mem>>) src(%arg18 : memref<64x128xf32, #tpu.memory_space<vmem>>) dst(%dma_wait3A_286 : memref<2048x128xf32, #tpu.memory_space<vmem_shared>>)
    %mul3A_287 = arith.constant 128 : i32
    %mul3A_288 = arith.muli %arg1, %mul3A_287 : i32
    %mul3A_289 = arith.constant 128 : i32
    %mul3A_290 = arith.muli %add3A, %mul3A_289 : i32
    "tpu.region"() ({
      %run_scoped3A = tpu.sem_alloc : memref<!tpu.dma_semaphore, #tpu.memory_space<semaphore_mem>>
      %dma_start3A_291 = arith.constant 0 : i32
      %dma_start3A_292 = tpu.memref_slice %arg6[%mul3A_290, %dma_start3A_291] : memref<4096x128xf32, #tpu.memory_space<hbm>> -> memref<128x128xf32, #tpu.memory_space<hbm>>
      %dma_start3A_293 = arith.constant 0 : i32
      %dma_start3A_294 = tpu.memref_slice %arg39[%mul3A_288, %dma_start3A_293] : memref<2048x128xf32, #tpu.memory_space<vmem_shared>> -> memref<128x128xf32, #tpu.memory_space<vmem_shared>>
      tpu.enqueue_dma source(%dma_start3A_294 : memref<128x128xf32, #tpu.memory_space<vmem_shared>>) target(%dma_start3A_292 : memref<128x128xf32, #tpu.memory_space<hbm>>) target_semaphore(%run_scoped3A : memref<!tpu.dma_semaphore, #tpu.memory_space<semaphore_mem>>)
      %dma_wait3A_295 = arith.constant 0 : i32
      %dma_wait3A_296 = tpu.memref_slice %arg6[%mul3A_290, %dma_wait3A_295] : memref<4096x128xf32, #tpu.memory_space<hbm>> -> memref<128x128xf32, #tpu.memory_space<hbm>>
      %dma_wait3A_297 = arith.constant 0 : i32
      %dma_wait3A_298 = tpu.memref_slice %arg39[%mul3A_288, %dma_wait3A_297] : memref<2048x128xf32, #tpu.memory_space<vmem_shared>> -> memref<128x128xf32, #tpu.memory_space<vmem_shared>>
      tpu.wait_dma2 semaphore(%run_scoped3A : memref<!tpu.dma_semaphore, #tpu.memory_space<semaphore_mem>>) src(%dma_wait3A_298 : memref<128x128xf32, #tpu.memory_space<vmem_shared>>) dst(%dma_wait3A_296 : memref<128x128xf32, #tpu.memory_space<hbm>>)
      tpu.yield
    }) : () -> ()
    return
  }
}

module attributes {stable_mosaic.version = 14 : i64} {
  func.func @body(%arg0: i32, %arg1: memref<10000x100xf32, #tpu.memory_space<vmem>>, %arg2: memref<10000x128xf32, #tpu.memory_space<vmem>>) attributes {dimension_semantics = [#tpu.dimension_semantics<arbitrary>], iteration_bounds = array<i64: 10>, scalar_prefetch = 0 : i64, scratch_operands = 0 : i64, tpu.core_type = #tpu.core_type<tc>, window_params = [{transform_indices = @transform_0, window_bounds = array<i64: 10000, 100>}, {transform_indices = @transform_1, window_bounds = array<i64: 10000, 128>}]} {
    %get3A = arith.constant 0 : index
    %get3A_0 = arith.constant 0 : index
    %get3A_1 = vector.load %arg1[%get3A, %get3A_0] : memref<10000x100xf32, #tpu.memory_space<vmem>>, vector<10000x100xf32>
    %jit3A = arith.constant 0 : i32
    %convert_element_type3A = arith.sitofp %jit3A : i32 to f32
    %pad3A = vector.broadcast %convert_element_type3A : f32 to vector<10000x28xf32>
    %pad3A_2 = tpu.concatenate %get3A_1, %pad3A in 1 : vector<10000x100xf32>, vector<10000x28xf32> -> vector<10000x128xf32>
    %swap3A = arith.constant 0 : index
    %swap3A_3 = arith.constant 0 : index
    %swap3A_4 = vector.load %arg2[%swap3A, %swap3A_3] : memref<10000x128xf32, #tpu.memory_space<vmem>>, vector<10000x128xf32>
    tpu.vector_store %arg2[%swap3A, %swap3A_3], %pad3A_2 {strides = array<i32>} : memref<10000x128xf32, #tpu.memory_space<vmem>>, vector<10000x128xf32>,
    return
  }
  func.func @transform_0(%arg0: i32) -> (i32, i32) {
    %c0_i32 = arith.constant 0 : i32
    %c0_i32_0 = arith.constant 0 : i32
    return %arg0, %c0_i32 : i32, i32
  }
  func.func @transform_1(%arg0: i32) -> (i32, i32) {
    %c0_i32 = arith.constant 0 : i32
    %c0_i32_0 = arith.constant 0 : i32
    return %arg0, %c0_i32 : i32, i32
  }
}

module attributes {stable_mosaic.version = 14 : i64} {
  func.func @body(%arg0: i32, %arg1: memref<512x128xf32, #tpu.memory_space<vmem>>, %arg2: memref<128x1024xf32, #tpu.memory_space<vmem>>, %arg3: memref<1x1024xf32, #tpu.memory_space<vmem>>, %arg4: memref<1024x4xf32, #tpu.memory_space<vmem>>, %arg5: memref<1x4xf32, #tpu.memory_space<vmem>>, %arg6: memref<512x4xf32, #tpu.memory_space<vmem>>) attributes {dimension_semantics = [#tpu.dimension_semantics<arbitrary>], iteration_bounds = array<i64: 8>, scalar_prefetch = 0 : i64, scratch_operands = 0 : i64, tpu.core_type = #tpu.core_type<tc>, window_params = [{transform_indices = @transform_0, window_bounds = array<i64: 512, 128>}, {pipeline_mode = #tpu.pipeline_mode<synchronous>, transform_indices = @transform_1, window_bounds = array<i64: 128, 1024>}, {pipeline_mode = #tpu.pipeline_mode<synchronous>, transform_indices = @transform_2, window_bounds = array<i64: 1, 1024>}, {pipeline_mode = #tpu.pipeline_mode<synchronous>, transform_indices = @transform_3, window_bounds = array<i64: 1024, 4>}, {pipeline_mode = #tpu.pipeline_mode<synchronous>, transform_indices = @transform_4, window_bounds = array<i64: 1, 4>}, {transform_indices = @transform_5, window_bounds = array<i64: 512, 4>}]} {
    %get3A = arith.constant 0 : index
    %get3A_0 = arith.constant 0 : index
    %get3A_1 = vector.load %arg1[%get3A, %get3A_0] : memref<512x128xf32, #tpu.memory_space<vmem>>, vector<512x128xf32>
    %get3A_2 = arith.constant 0 : index
    %get3A_3 = arith.constant 0 : index
    %get3A_4 = vector.load %arg2[%get3A_2, %get3A_3] : memref<128x1024xf32, #tpu.memory_space<vmem>>, vector<128x1024xf32>
    %dot_general3A = arith.constant dense<0.000000e+00> : vector<512x1024xf32>
    %dot_general3A_5 = tpu.matmul %get3A_1, %get3A_4, %dot_general3A {dimension_numbers = #tpu.dot_dimension_numbers<[1], [0], [0], [1], [0, 0, 1, 1], [], []>, transpose_lhs_hint = false} : vector<512x128xf32>, vector<128x1024xf32>, vector<512x1024xf32> -> vector<512x1024xf32>
    %get3A_6 = arith.constant 0 : index
    %get3A_7 = arith.constant 0 : index
    %get3A_8 = vector.load %arg3[%get3A_6, %get3A_7] : memref<1x1024xf32, #tpu.memory_space<vmem>>, vector<1x1024xf32>
    %add3A = vector.broadcast %get3A_8 : vector<1x1024xf32> to vector<512x1024xf32>
    %add3A_9 = arith.addf %dot_general3A_5, %add3A : vector<512x1024xf32>
    %logistic3A = arith.negf %add3A_9 : vector<512x1024xf32>
    %logistic3A_10 = math.exp %logistic3A : vector<512x1024xf32>
    %logistic3A_11 = arith.constant 1.000000e+00 : f32
    %logistic3A_12 = vector.broadcast %logistic3A_11 : f32 to vector<512x1024xf32>
    %logistic3A_13 = arith.addf %logistic3A_12, %logistic3A_10 : vector<512x1024xf32>
    %logistic3A_14 = arith.divf %logistic3A_12, %logistic3A_13 : vector<512x1024xf32>
    %get3A_15 = arith.constant 0 : index
    %get3A_16 = arith.constant 0 : index
    %get3A_17 = vector.load %arg4[%get3A_15, %get3A_16] : memref<1024x4xf32, #tpu.memory_space<vmem>>, vector<1024x4xf32>
    %dot_general3A_18 = arith.constant dense<0.000000e+00> : vector<512x4xf32>
    %dot_general3A_19 = tpu.matmul %logistic3A_14, %get3A_17, %dot_general3A_18 {dimension_numbers = #tpu.dot_dimension_numbers<[1], [0], [0], [1], [0, 0, 1, 1], [], []>, transpose_lhs_hint = false} : vector<512x1024xf32>, vector<1024x4xf32>, vector<512x4xf32> -> vector<512x4xf32>
    %get3A_20 = arith.constant 0 : index
    %get3A_21 = arith.constant 0 : index
    %get3A_22 = vector.load %arg5[%get3A_20, %get3A_21] : memref<1x4xf32, #tpu.memory_space<vmem>>, vector<1x4xf32>
    %add3A_23 = vector.broadcast %get3A_22 : vector<1x4xf32> to vector<512x4xf32>
    %add3A_24 = arith.addf %dot_general3A_19, %add3A_23 : vector<512x4xf32>
    %swap3A = arith.constant 0 : index
    %swap3A_25 = arith.constant 0 : index
    %swap3A_26 = vector.load %arg6[%swap3A, %swap3A_25] : memref<512x4xf32, #tpu.memory_space<vmem>>, vector<512x4xf32>
    tpu.vector_store %arg6[%swap3A, %swap3A_25], %add3A_24 {strides = array<i32>} : memref<512x4xf32, #tpu.memory_space<vmem>>, vector<512x4xf32>,
    return
  }
  func.func @transform_0(%arg0: i32) -> (i32, i32) {
    %c0_i32 = arith.constant 0 : i32
    %c0_i32_0 = arith.constant 0 : i32
    return %arg0, %c0_i32 : i32, i32
  }
  func.func @transform_1(%arg0: i32) -> (i32, i32) {
    %c0_i32 = arith.constant 0 : i32
    %c0_i32_0 = arith.constant 0 : i32
    %c0_i32_1 = arith.constant 0 : i32
    return %c0_i32, %c0_i32_0 : i32, i32
  }
  func.func @transform_2(%arg0: i32) -> (i32, i32) {
    %c0_i32 = arith.constant 0 : i32
    %c0_i32_0 = arith.constant 0 : i32
    %c0_i32_1 = arith.constant 0 : i32
    return %c0_i32, %c0_i32_0 : i32, i32
  }
  func.func @transform_3(%arg0: i32) -> (i32, i32) {
    %c0_i32 = arith.constant 0 : i32
    %c0_i32_0 = arith.constant 0 : i32
    %c0_i32_1 = arith.constant 0 : i32
    return %c0_i32, %c0_i32_0 : i32, i32
  }
  func.func @transform_4(%arg0: i32) -> (i32, i32) {
    %c0_i32 = arith.constant 0 : i32
    %c0_i32_0 = arith.constant 0 : i32
    %c0_i32_1 = arith.constant 0 : i32
    return %c0_i32, %c0_i32_0 : i32, i32
  }
  func.func @transform_5(%arg0: i32) -> (i32, i32) {
    %c0_i32 = arith.constant 0 : i32
    %c0_i32_0 = arith.constant 0 : i32
    return %arg0, %c0_i32 : i32, i32
  }
}

</mosaic_0001>

<sc_bundles>
// kernel: kernel.5.cloned.1.call-start
scs
__scs_entry_jumppad:
0x0: {  	(pc) =	sbr.rel $0x88, $3  }
0x1: {  	(tag) =	ssettag $0x0;
	lr =	simm.s32 $0x1  }
0x2: {  	[smem:$0x3F9B] =	sst lr;
	_ =	strace $0xD0000000  }
0x3: {  	_ = 	snop  }
0x4: {  	_ = 	snop  }
0x5: {  	_ = 	snop  }
0x6: {  	_ = 	snop  }
0x7: {  	_ = 	snop  }
__scs_overlays_trampoline_lowered:
0x8: {  	[smem:$0x3FAA] =	sst s0  }
0x9: {  	[smem:$0x3FAB] =	sst s1  }
0xa: {  	[smem:$0x3FAC] =	sst s2  }
0xb: {  	[smem:$0x3FAD] =	sst s3  }
0xc: {  	[smem:$0x3FAE] =	sst s4  }
0xd: {  	[smem:$0x3FAF] =	sst s5  }
0xe: {  	[smem:$0x3FB0] =	sst s6  }
0xf: {  	[smem:$0x3FB1] =	sst s7  }
0x10: {  	[smem:$0x3FB2] =	sst s8  }
0x11: {  	[smem:$0x3FB3] =	sst s9;
	s0 =	simm.s32 @!p0 $0x0  }
0x12: {  	s1 =	sld [smem:$0x3F99];
	s0 =	simm.s32 @p0 $0x1  }
0x13: {  	[smem:$0x3FB4] =	sst s0;
	s0 =	simm.s32 @!p1 $0x0  }
0x14: {  	s2 =	sld [smem:$0x3F98];
	s0 =	simm.s32 @p1 $0x1  }
0x15: {  	[smem:$0x3FB5] =	sst s0;
	s0 =	simm.s32 @!p2 $0x0  }
0x16: {  	s3 =	sld [smem:$0x3FDB];
	s0 =	simm.s32 @p2 $0x1  }
0x17: {  	s4 =	simm.s32 $0x1BF5;
	[smem:$0x3FB7] =	sst s0  }
0x18: {  	s0 =	sld [smem:$0x3F9A];
	_ =	swait.ge [sflag:s4], $0x0  }
0x19: {  	s7 =	sld [smem:$0x3F9B]  }
0x1a: {  	s8 =	sadd.s32 $0xFFFFE003, lr  }
0x1b: {  	s9 =	sadd.s32 $0xFFFFFEF7, lr;
	s5 =	simm.s32 $0xFFFFFFFF;
	p2 =	slt.u32 s8, $0xFFFFF086  }
0x1c: {  	p1 =	slt.u32 s9, $0xF7A;
	s5 =	simm.s32 @!p2 $0x0  }
0x1d: {  	s5 =	simm.s32 @p1 $0x1;
	p0 =	seq.s32 s7, s2  }
0x1e: {  	s7 =	smul.u32 @!p0 $0xF7A, s2;
	p2 =	seq.s32 @!p0 s5, $0x0  }
0x1f: {  	s9 =	smul.u32 $0xF7A, s1;
	s8 =	simm.s32 @!p0 $0x1BF5;
	p2 =	por !p2, p0  }
0x20: {  	[sflag:s8] =	ssyncset.s32 @!p0 $0xFFFFF086;
	s6 =	sadd.s32 @!p0 s3, s7;
	s7 =	simm.s32 @!p0 $0x108  }
0x21: {  	s3 =	sadd.s32 s3, s9;
	s6 =	sadd.s32 @!p0 $0x88, s6;
	s7 =	simm.s32 @p2 $0x1082  }
0x22: {  	[simem:s7], [sflag:s8] =	dma.local @!p0 [hbm:s6], $0xF7A  }
0x23: {  	s9 =	sor.u32 $0xD0000000, s2;
	s6 =	simm.s32 $0x108;
	_ =	swait.ge @!p0 [sflag:s8], $0x0  }
0x24: {  	s3 =	sadd.s32 $0x88, s3;
	s6 =	simm.s32 @!p1 $0x1082;
	[sflag:s4] =	ssyncset.s32 $0xFFFFF086  }
0x25: {  	[simem:s6], [sflag:s4] =	dma.local [hbm:s3], $0xF7A  }
0x26: {  	[smem:$0x3F9B] =	sst s1;
	(tag) =	ssettag s2;
	_ =	strace s9  }
0x27: {  	s1 =	sld [smem:$0x3FAB]  }
0x28: {  	s2 =	sld [smem:$0x3FAC]  }
0x29: {  	s4 =	sld [smem:$0x3FAE]  }
0x2a: {  	p0 =	seq.s32 s5, $0x0;
	s5 =	sld [smem:$0x3FAF]  }
0x2b: {  	s6 =	sld [smem:$0x3FB0]  }
0x2c: {  	s7 =	sld [smem:$0x3FB1]  }
0x2d: {  	s3 =	simm.s32 $0x108;
	s8 =	sld [smem:$0x3FB2]  }
0x2e: {  	s3 =	simm.s32 @!p0 $0x1082;
	s9 =	sld [smem:$0x3FB3]  }
0x2f: {  	lr =	sadd.s32 s0, s3;
	s0 =	sld [smem:$0x3FAA]  }
0x30: {  	s3 =	sld [smem:$0x3FAD]  }
0x31: {  	[smem:$0x3FB6] =	sst s10  }
0x32: {  	s10 =	sld [smem:$0x3FB4];
	_ =	sdelay $0x3  }
0x33: {  	p0 =	seq.s32 s10, $0x1;
	s10 =	sld [smem:$0x3FB6];
	_ =	sdelay $0x3  }
0x34: {  	[smem:$0x3FB6] =	sst s10  }
0x35: {  	s10 =	sld [smem:$0x3FB5];
	_ =	sdelay $0x3  }
0x36: {  	p1 =	seq.s32 s10, $0x1;
	s10 =	sld [smem:$0x3FB6];
	_ =	sdelay $0x3  }
0x37: {  	[smem:$0x3FB6] =	sst s10  }
0x38: {  	s10 =	sld [smem:$0x3FB7]  }
0x39: {  	_ = 	snop;
	(pc) =	sbr.ind lr, $3  }
0x3a: {  	_ = 	snop  }
0x3b: {  	_ = 	snop  }
0x3c: {  	p2 =	seq.s32 s10, $0x1;
	s10 =	sld [smem:$0x3FB6]  }
0x3d: {  	_ =	shalt  }
0x3e: {  	_ =	shalt  }
0x3f: {  	_ =	shalt  }
0x40: {  	_ =	shalt  }
0x41: {  	_ =	shalt  }
0x42: {  	_ =	shalt  }
0x43: {  	_ =	shalt  }
0x44: {  	_ =	shalt  }
0x45: {  	_ =	shalt  }
0x46: {  	_ =	shalt  }
0x47: {  	_ =	shalt  }
0x48: {  	_ =	shalt  }
0x49: {  	_ =	shalt  }
0x4a: {  	_ =	shalt  }
0x4b: {  	_ =	shalt  }
0x4c: {  	_ =	shalt  }
0x4d: {  	_ =	shalt  }
0x4e: {  	_ =	shalt  }
0x4f: {  	_ =	shalt  }
0x50: {  	_ =	shalt  }
0x51: {  	_ =	shalt  }
0x52: {  	_ =	shalt  }
0x53: {  	_ =	shalt  }
0x54: {  	_ =	shalt  }
0x55: {  	_ =	shalt  }
0x56: {  	_ =	shalt  }
0x57: {  	_ =	shalt  }
0x58: {  	_ =	shalt  }
0x59: {  	_ =	shalt  }
0x5a: {  	_ =	shalt  }
0x5b: {  	_ =	shalt  }
0x5c: {  	_ =	shalt  }
0x5d: {  	_ =	shalt  }
0x5e: {  	_ =	shalt  }
0x5f: {  	_ =	shalt  }
0x60: {  	_ =	shalt  }
0x61: {  	_ =	shalt  }
0x62: {  	_ =	shalt  }
0x63: {  	_ =	shalt  }
0x64: {  	_ =	shalt  }
0x65: {  	_ =	shalt  }
0x66: {  	_ =	shalt  }
0x67: {  	_ =	shalt  }
0x68: {  	_ =	shalt  }
0x69: {  	_ =	shalt  }
0x6a: {  	_ =	shalt  }
0x6b: {  	_ =	shalt  }
0x6c: {  	_ =	shalt  }
0x6d: {  	_ =	shalt  }
0x6e: {  	_ =	shalt  }
0x6f: {  	_ =	shalt  }
0x70: {  	_ =	shalt  }
0x71: {  	_ =	shalt  }
0x72: {  	_ =	shalt  }
0x73: {  	_ =	shalt  }
0x74: {  	_ =	shalt  }
0x75: {  	_ =	shalt  }
0x76: {  	_ =	shalt  }
0x77: {  	_ =	shalt  }
0x78: {  	_ =	shalt  }
0x79: {  	_ =	shalt  }
0x7a: {  	_ =	shalt  }
0x7b: {  	_ =	shalt  }
0x7c: {  	_ =	shalt  }
0x7d: {  	_ =	shalt  }
0x7e: {  	_ =	shalt  }
0x7f: {  	_ =	shalt  }
0x80: {  	_ =	shalt  }
0x81: {  	_ =	shalt  }
0x82: {  	_ =	shalt  }
0x83: {  	_ =	shalt  }
0x84: {  	_ =	shalt  }
0x85: {  	_ =	shalt  }
0x86: {  	_ =	shalt  }
0x87: {  	_ =	shalt  }
.Lfunc_end0:
.L_simem_size_0:
called_computation_lowered:
.L_overlay_start_0:
0x88: {  	s2 =	sld [smem:$0x3FD9]  }
0x89: {  	s3 =	sld [smem:$0x3FFE];
	_ =	sdelay $0x1  }
0x8a: {  	s1 =	srdreg.scid  }
0x8b: {  	s0 =	sand.u32 $0x1, s1  }
0x8c: {  	s17 =	sshll.u32 s0, $0xA;
	s2 =	sadd.s32 s3, s2  }
0x8d: {  	s2 =	sadd.s32 s2, s17  }
0x8e: {  	[smem:$0x3FC2] =	sst s2  }
0x8f: {  	_ = 	snop  }
0x90: {  	s2 =	sld [smem:$0x3FD0];
	(tm) =	ssettm $0x1  }
0x91: {  	s18 =	sld [smem:$0x3FFB];
	_ =	sdelay $0x3  }
0x92: {  	_ =	strace s18  }
0x93: {  	s3 =	sld [smem:$0x3FFC];
	_ =	sdelay $0x3  }
0x94: {  	_ =	strace s3  }
0x95: {  	s3 =	sld [smem:$0x3FFD];
	_ =	sdelay $0x3  }
0x96: {  	_ =	strace s3  }
0x97: {  	_ =	strace $0x8FFFFFFF  }
0x98: {  	s19 =	sld [smem:$0x3FDB];
	_ =	sdelay $0x1  }
0x99: {  	s4 =	simm.s32 $_scs_section_size  }
0x9a: {  	s5 =	simm.s32 $_size__tile_overlayer_lowered;
	s6 =	simm.s32 $_tile_overlayer_lowered  }
0x9b: {  	s22 =	simm.s32 $0x1BFF;
	s21 =	sshll.u32 s6, $0x1;
	s3 =	sadd.s32 s4, s19  }
0x9c: {  	s7 =	simm.s32 $0x0;
	s20 =	sshll.u32 s5, $0x1;
	s5 =	sadd.s32 s21, s3  }
0x9d: {  	[timem:s7], [sflag:s22] =	dma.local [hbm:s5], s20  }
0x9e: {  	_ =	swait.ge [sflag:s22], s20  }
0x9f: {  	s4 =	ssub.s32 $0x0, s20;
	[sflag:s22] =	ssyncset.done $0x0  }
0xa0: {  	[sflag:s22] =	ssyncadd.s32 s4;
	_ =	sdelay $0x1  }
0xa1: {  	s23 =	simm.s32 $0x1B8B  }
0xa2: {  	_ =	swait.ge [sflag:s23], $0x1  }
0xa3: {  	[sflag:s23] =	ssyncset.done $0x0  }
0xa4: {  	s25 =	simm.s32 $0x1B8E;
	s24 =	sld [smem:$0x3FFE];
	[sflag:s23] =	ssyncadd.s32 $0xFFFFFFFF  }
0xa5: {  	s26 =	simm.s32 $execute0_lowered;
	[smem:$0x3FD2] =	sst s25  }
0xa6: {  	s5 =	sshll.u32 s26, $0x1;
	_ =	strace $0x80000046;
	[dreg:$0x1] =	wrdreg $0xFFFFFFFF  }
0xa7: {  	s28 =	simm.s32 $_size_execute0_lowered;
	s3 =	sadd.s32 s3, s5;
	[dreg:$0x0] =	wrdreg $0x0  }
0xa8: {  	s5 =	sshll.u32 s28, $0x1;
	[dreg:$0x2] =	wrdreg s3  }
0xa9: {  	[dreg:$0x3] =	wrdreg s5  }
0xaa: {  	[dreg:$0x4] =	wrdreg $0xC0  }
0xab: {  	_ =	task [dreg:s7], $0x5FFFF  }
0xac: {  	[dreg:$0x1] =	wrdreg $0xFFFFFFFF  }
0xad: {  	[dreg:$0x0] =	wrdreg $0x60  }
0xae: {  	[dreg:$0x2] =	wrdreg s24  }
0xaf: {  	[dreg:$0x3] =	wrdreg s2  }
0xb0: {  	[dreg:$0x4] =	wrdreg $0x175000  }
0xb1: {  	[dreg:$0x5] =	wrdreg $0x9  }
0xb2: {  	_ =	task.clear_ibuf [dreg:s7], $0x6FFFF;
	_ =	strace $0x90000046  }
0xb3: {  	s29 =	simm.s32 $0x9;
	_ =	strace $0x80000048  }
0xb4: {  	_ =	swait.ge [sflag:s29], $0x1  }
0xb5: {  	[sflag:s29] =	ssyncadd.s32 $0xFFFFFFFF  }
0xb6: {  	_ =	strace $0x90000048  }
0xb7: {  	_ =	sfence  }
0xb8: {  	s30 =	sld [smem:$0x0];
	_ =	sdelay $0x2  }
0xb9: {  	s31 =	sshll.u32 s1, $0xD;
	s1 =	sshrl.u32 s1, $0x2  }
0xba: {  	s3 =	sand.u32 $0x4000, s31;
	s1 =	sadd.s32 s1, s30  }
0xbb: {  	s0 =	sor.u32 s3, s0;
	s1 =	sshll.u32 s1, $0x11  }
0xbc: {  	s0 =	sor.u32 s1, s0  }
0xbd: {  	s0 =	sadd.s32 $0x8F2B, s0  }
0xbe: {  	[sflag:s0] =	ssyncadd.remote.s32 $0x1  }
0xbf: {  	_ =	sfence.sel $0xFFFF  }
0xc0: {  	[dreg:$0x0] =	wrdreg $0xFFFFFFFF;
	(pc) =	sbr.abs _section_cstart, $3  }
0xc1: {  	[dreg:$0x1] =	wrdreg $0xFFFFFFFF  }
0xc2: {  	_ =	task.clear_ibuf [dreg:s7], $0x2FFFF;
	_ =	strace $0x9FFFFFFF  }
0xc3: {  	(tm) =	ssettm $0x7FFFFFFF  }
tec
execute0_lowered:
.L_overlay_start_1:
0x0: {  	(tag) =	ssettag $0x1  }
0x1: {  	s0 =	rddreg [dreg:$0x0]  }
0x2: {  	s1 =	srdreg.scid;
	s3 =	rddreg [dreg:$0x1]  }
0x3: {  	s2 =	rddreg [dreg:$0x2];
	s9 =	stileid.u32;
	s6 =	simm.s32 $0x0  }
0x4: {  	s28 =	simm.s32 $0x15;
	s11 =	simm.s32 $0x3400;
	s14 =	simm.s32 $0x40  }
0x5: {  	s22 =	simm.s32 $0x3480;
	s12 =	simm.s32 $0x10;
	s13 =	simm.s32 $0x9  }
0x6: {  	s10 =	simm.s32 $0x11;
	s15 =	simm.s32 $0xA;
	s17 =	simm.s32 $0x12  }
0x7: {  	s19 =	simm.s32 $0x13;
	s21 =	simm.s32 $0x14;
	s1 =	sand.u32 $0x1, s1  }
0x8: {  	[smem:$0x7FF] =	sst s6;
	s26 =	sshll.u32 s9, $0xE;
	s31 =	sshll.u32 s9, $0x6  }
0x9: {  	s4 =	sshll.u32 s1, $0x4;
	_ =	strace $0x80000047;
	s1 =	ssub.s32 $0x2, s1  }
0xa: {  	s5 =	sor.u32 s9, s4;
	s4 =	sadd.s32 $0x187A00, s0;
	s8 =	sshrl.u32 s1, $0x1  }
0xb: {  	s25 =	smul.u32 $0x680, s5;
	s7 =	sshll.u32 s5, $0xB;
	s5 =	sshll.u32 s5, $0x5  }
0xc: {  	s9 =	simm.s32 $0xF;
	s1 =	ssub.s32 s1, s8;
	s3 =	sadd.s32 s3, s5  }
0xd: {  	s8 =	simm.s32 $0x7;
	s30 =	smax.u32 s1, $0x1;
	[dreg:$0x5] =	wrdreg s3  }
0xe: {  	s6 =	sadd.s32 s25, s0;
	[dreg:$0x8] =	wrdreg s30;
	s25 =	sor.u32 $0x1C15, s31  }
0xf: {  	s0 =	sadd.s32 s7, s0;
	s6 =	sadd.s32 $0x1000, s6;
	[dreg:$0x9] =	wrdreg s25  }
0x10: {  	s3 =	sadd.s32 s26, s2;
	s29 =	sadd.s32 $0xE000, s0;
	[dreg:$0x4] =	wrdreg s6  }
0x11: {  	s7 =	simm.s32 $0xE;
	s0 =	sadd.s32 $0x1E000, s0;
	[dreg:$0x6] =	wrdreg s29  }
0x12: {  	s1 =	sshrl.u32 s3, $0x3;
	s3 =	simm.s32 $0x8;
	[dreg:$0x7] =	wrdreg s0  }
0x13: {  	s6 =	simm.s32 $0x6;
	s0 =	simm.s32 $0x0;
	[dreg:$0xa] =	wrdreg s1  }
.LBB2_1:
0x14: {  	[dreg:$0xb] =	wrdreg s0  }
0x15: {  	s5 =	simm.s32 $0x0;
	s16 =	rddreg [dreg:$0x4]  }
0x16: {  	[tilespmem:s5], [sflag:$0x15] =	stream.linear.gather [hbm4b:s16+s5], $0x3200, $0x38;
	[tilespmem:$0x1B500] =	vst v63  }
0x17: {  	_ =	swait.ge [sflag:s28], $0x3200  }
0x18: {  	[sflag:s28] =	ssyncset.done $0x0  }
0x19: {  	s18 =	rddreg [dreg:$0x5];
	[sflag:s28] =	ssyncadd.s32 $0xFFFFCE00  }
0x1a: {  	[tilespmem:s11], [sflag:$0x15] =	stream.linear.gather [hbm4b:s18+s5], $0x100, $0x38;
	[tilespmem:$0x1B500] =	vst v63  }
0x1b: {  	_ =	swait.ge [sflag:s28], $0x100  }
0x1c: {  	[sflag:s28] =	ssyncset.done $0x0  }
0x1d: {  	s23 =	smov.u32 s25;
	s20 =	rddreg [dreg:$0x6];
	[sflag:s28] =	ssyncadd.s32 $0xFFFFFF00  }
0x1e: {  	[spmem:s1], [sflag:s23] =	dma.local [hbm:s20], $0x800  }
0x1f: {  	_ =	swait.ge [sflag:s28], $0x800  }
0x20: {  	[sflag:s28] =	ssyncset.done $0x0  }
0x21: {  	s25 =	simm.s32 $0x3500;
	[sflag:s28] =	ssyncadd.s32 $0xFFFFF800  }
0x22: {  	[tilespmem:s25], [sflag:$0x1] =	stream.indirect.gather [hbm4b:s4+s14], $0x80, s5, s14, $0xb8;
	[tilespmem:$0x1B500] =	vst v63  }
0x23: {  	s23 =	simm.s32 $0x80;
	s28 =	simm.s32 $0x5500  }
0x24: {  	[tilespmem:s28], [sflag:$0x2] =	stream.indirect.gather [hbm4b:s4+s14], $0x80, s23, s14, $0xb8;
	[tilespmem:$0x1B500] =	vst v63  }
0x25: {  	s24 =	simm.s32 $0x100;
	s16 =	simm.s32 $0x7500  }
0x26: {  	[tilespmem:s16], [sflag:$0x3] =	stream.indirect.gather [hbm4b:s4+s14], $0x80, s24, s14, $0xb8;
	[tilespmem:$0x1B500] =	vst v63  }
0x27: {  	s26 =	simm.s32 $0x180;
	s18 =	simm.s32 $0x9500  }
0x28: {  	[tilespmem:s18], [sflag:$0x4] =	stream.indirect.gather [hbm4b:s4+s14], $0x80, s26, s14, $0xb8;
	[tilespmem:$0x1B500] =	vst v63  }
0x29: {  	s29 =	simm.s32 $0x200;
	s20 =	simm.s32 $0xB500  }
0x2a: {  	[tilespmem:s20], [sflag:$0x5] =	stream.indirect.gather [hbm4b:s4+s14], $0x80, s29, s14, $0xb8;
	[tilespmem:$0x1B500] =	vst v63  }
0x2b: {  	s30 =	simm.s32 $0x280;
	s24 =	simm.s32 $0xD500  }
0x2c: {  	[tilespmem:s24], [sflag:$0x6] =	stream.indirect.gather [hbm4b:s4+s14], $0x80, s30, s14, $0xb8;
	[tilespmem:$0x1B500] =	vst v63  }
0x2d: {  	s31 =	simm.s32 $0x300;
	s26 =	simm.s32 $0xF500  }
0x2e: {  	[tilespmem:s26], [sflag:$0x7] =	stream.indirect.gather [hbm4b:s4+s14], $0x80, s31, s14, $0xb8;
	[tilespmem:$0x1B500] =	vst v63  }
0x2f: {  	s1 =	simm.s32 $0x380;
	s29 =	simm.s32 $0x11500  }
0x30: {  	[tilespmem:s29], [sflag:$0x8] =	stream.indirect.gather [hbm4b:s4+s14], $0x80, s1, s14, $0xb8;
	[tilespmem:$0x1B500] =	vst v63  }
0x31: {  	s5 =	simm.s32 $0x400;
	s30 =	simm.s32 $0x13500  }
0x32: {  	[tilespmem:s30], [sflag:$0x9] =	stream.indirect.gather [hbm4b:s4+s14], $0x80, s5, s14, $0xb8;
	[tilespmem:$0x1B500] =	vst v63  }
0x33: {  	s23 =	simm.s32 $0x480;
	s31 =	simm.s32 $0x1;
	s1 =	simm.s32 $0x15500  }
0x34: {  	[tilespmem:s1], [sflag:$0xA] =	stream.indirect.gather [hbm4b:s4+s14], $0x80, s23, s14, $0xb8;
	[tilespmem:$0x1B500] =	vst v63  }
0x35: {  	_ =	swait.ge [sflag:s31], $0x2000  }
0x36: {  	[sflag:s31] =	ssyncset.done $0x0  }
0x37: {  	s5 =	simm.s32 $0x2;
	[sflag:s31] =	ssyncadd.s32 $0xFFFFE000  }
0x38: {  	[spmem:s2] =	stream.indirect.scatter.add.f32 [tilespmem:s25], [sflag:$0xB], $0x80, s11, s14, $0xb8;
	[tilespmem:$0x1B500] =	vst v63  }
0x39: {  	_ =	swait.ge [sflag:s5], $0x2000  }
0x3a: {  	[sflag:s5] =	ssyncset.done $0x0  }
0x3b: {  	s23 =	simm.s32 $0x3;
	[sflag:s5] =	ssyncadd.s32 $0xFFFFE000  }
0x3c: {  	[spmem:s2] =	stream.indirect.scatter.add.f32 [tilespmem:s28], [sflag:$0xC], $0x80, s22, s14, $0xb8;
	[tilespmem:$0x1B500] =	vst v63  }
0x3d: {  	_ =	swait.ge [sflag:s23], $0x2000  }
0x3e: {  	[sflag:s23] =	ssyncset.done $0x0  }
0x3f: {  	s31 =	simm.s32 $0xB;
	[sflag:s23] =	ssyncadd.s32 $0xFFFFE000  }
0x40: {  	_ =	swait.ge [sflag:s31], $0x2000  }
0x41: {  	[sflag:s31] =	ssyncset.done $0x0  }
0x42: {  	s0 =	simm.s32 $0x500;
	[sflag:s31] =	ssyncadd.s32 $0xFFFFE000  }
0x43: {  	[tilespmem:s25], [sflag:$0x1] =	stream.indirect.gather [hbm4b:s4+s14], $0x80, s0, s14, $0xb8;
	[tilespmem:$0x1B500] =	vst v63  }
0x44: {  	s5 =	simm.s32 $0x4  }
0x45: {  	[spmem:s2] =	stream.indirect.scatter.add.f32 [tilespmem:s16], [sflag:$0xD], $0x80, s11, s14, $0xb8;
	[tilespmem:$0x1B500] =	vst v63  }
0x46: {  	_ =	swait.ge [sflag:s5], $0x2000  }
0x47: {  	[sflag:s5] =	ssyncset.done $0x0  }
0x48: {  	s23 =	simm.s32 $0xC;
	[sflag:s5] =	ssyncadd.s32 $0xFFFFE000  }
0x49: {  	_ =	swait.ge [sflag:s23], $0x2000  }
0x4a: {  	[sflag:s23] =	ssyncset.done $0x0  }
0x4b: {  	s25 =	simm.s32 $0x580;
	[sflag:s23] =	ssyncadd.s32 $0xFFFFE000  }
0x4c: {  	[tilespmem:s28], [sflag:$0x2] =	stream.indirect.gather [hbm4b:s4+s14], $0x80, s25, s14, $0xb8;
	[tilespmem:$0x1B500] =	vst v63  }
0x4d: {  	s28 =	simm.s32 $0x5  }
0x4e: {  	[spmem:s2] =	stream.indirect.scatter.add.f32 [tilespmem:s18], [sflag:$0xE], $0x80, s22, s14, $0xb8;
	[tilespmem:$0x1B500] =	vst v63  }
0x4f: {  	_ =	swait.ge [sflag:s28], $0x2000  }
0x50: {  	[sflag:s28] =	ssyncset.done $0x0  }
0x51: {  	s31 =	simm.s32 $0xD;
	[sflag:s28] =	ssyncadd.s32 $0xFFFFE000  }
0x52: {  	_ =	swait.ge [sflag:s31], $0x2000  }
0x53: {  	[sflag:s31] =	ssyncset.done $0x0  }
0x54: {  	s5 =	simm.s32 $0x600;
	[sflag:s31] =	ssyncadd.s32 $0xFFFFE000  }
0x55: {  	[tilespmem:s16], [sflag:$0x3] =	stream.indirect.gather [hbm4b:s4+s14], $0x80, s5, s14, $0xb8;
	[tilespmem:$0x1B500] =	vst v63  }
0x56: {  	_ = 	snop  }
0x57: {  	[spmem:s2] =	stream.indirect.scatter.add.f32 [tilespmem:s20], [sflag:$0xF], $0x80, s11, s14, $0xb8;
	[tilespmem:$0x1B500] =	vst v63  }
0x58: {  	_ =	swait.ge [sflag:s6], $0x2000  }
0x59: {  	[sflag:s6] =	ssyncset.done $0x0  }
0x5a: {  	[sflag:s6] =	ssyncadd.s32 $0xFFFFE000  }
0x5b: {  	_ =	swait.ge [sflag:s7], $0x2000  }
0x5c: {  	[sflag:s7] =	ssyncset.done $0x0  }
0x5d: {  	s16 =	simm.s32 $0x680;
	[sflag:s7] =	ssyncadd.s32 $0xFFFFE000  }
0x5e: {  	[tilespmem:s18], [sflag:$0x4] =	stream.indirect.gather [hbm4b:s4+s14], $0x80, s16, s14, $0xb8;
	[tilespmem:$0x1B500] =	vst v63  }
0x5f: {  	_ = 	snop  }
0x60: {  	[spmem:s2] =	stream.indirect.scatter.add.f32 [tilespmem:s24], [sflag:$0x10], $0x80, s22, s14, $0xb8;
	[tilespmem:$0x1B500] =	vst v63  }
0x61: {  	_ =	swait.ge [sflag:s8], $0x2000  }
0x62: {  	[sflag:s8] =	ssyncset.done $0x0  }
0x63: {  	[sflag:s8] =	ssyncadd.s32 $0xFFFFE000  }
0x64: {  	_ =	swait.ge [sflag:s9], $0x2000  }
0x65: {  	[sflag:s9] =	ssyncset.done $0x0  }
0x66: {  	s18 =	simm.s32 $0x700;
	[sflag:s9] =	ssyncadd.s32 $0xFFFFE000  }
0x67: {  	[tilespmem:s20], [sflag:$0x5] =	stream.indirect.gather [hbm4b:s4+s14], $0x80, s18, s14, $0xb8;
	[tilespmem:$0x1B500] =	vst v63  }
0x68: {  	_ = 	snop  }
0x69: {  	[spmem:s2] =	stream.indirect.scatter.add.f32 [tilespmem:s26], [sflag:$0x11], $0x80, s11, s14, $0xb8;
	[tilespmem:$0x1B500] =	vst v63  }
0x6a: {  	_ =	swait.ge [sflag:s3], $0x2000  }
0x6b: {  	[sflag:s3] =	ssyncset.done $0x0  }
0x6c: {  	[sflag:s3] =	ssyncadd.s32 $0xFFFFE000  }
0x6d: {  	_ =	swait.ge [sflag:s12], $0x2000  }
0x6e: {  	[sflag:s12] =	ssyncset.done $0x0  }
0x6f: {  	s20 =	simm.s32 $0x780;
	[sflag:s12] =	ssyncadd.s32 $0xFFFFE000  }
0x70: {  	[tilespmem:s24], [sflag:$0x6] =	stream.indirect.gather [hbm4b:s4+s14], $0x80, s20, s14, $0xb8;
	[tilespmem:$0x1B500] =	vst v63  }
0x71: {  	_ = 	snop  }
0x72: {  	[spmem:s2] =	stream.indirect.scatter.add.f32 [tilespmem:s29], [sflag:$0x12], $0x80, s22, s14, $0xb8;
	[tilespmem:$0x1B500] =	vst v63  }
0x73: {  	_ =	swait.ge [sflag:s13], $0x2000  }
0x74: {  	[sflag:s13] =	ssyncset.done $0x0  }
0x75: {  	[sflag:s13] =	ssyncadd.s32 $0xFFFFE000  }
0x76: {  	_ =	swait.ge [sflag:s10], $0x2000  }
0x77: {  	[sflag:s10] =	ssyncset.done $0x0  }
0x78: {  	s25 =	simm.s32 $0x800;
	[sflag:s10] =	ssyncadd.s32 $0xFFFFE000  }
0x79: {  	[tilespmem:s26], [sflag:$0x7] =	stream.indirect.gather [hbm4b:s4+s14], $0x80, s25, s14, $0xb8;
	[tilespmem:$0x1B500] =	vst v63  }
0x7a: {  	_ = 	snop  }
0x7b: {  	[spmem:s2] =	stream.indirect.scatter.add.f32 [tilespmem:s30], [sflag:$0x13], $0x80, s11, s14, $0xb8;
	[tilespmem:$0x1B500] =	vst v63  }
0x7c: {  	_ =	swait.ge [sflag:s15], $0x2000  }
0x7d: {  	[sflag:s15] =	ssyncset.done $0x0  }
0x7e: {  	[sflag:s15] =	ssyncadd.s32 $0xFFFFE000  }
0x7f: {  	_ =	swait.ge [sflag:s17], $0x2000  }
0x80: {  	[sflag:s17] =	ssyncset.done $0x0  }
0x81: {  	s28 =	simm.s32 $0x880;
	[sflag:s17] =	ssyncadd.s32 $0xFFFFE000  }
0x82: {  	[tilespmem:s29], [sflag:$0x8] =	stream.indirect.gather [hbm4b:s4+s14], $0x80, s28, s14, $0xb8;
	[tilespmem:$0x1B500] =	vst v63  }
0x83: {  	_ = 	snop  }
0x84: {  	[spmem:s2] =	stream.indirect.scatter.add.f32 [tilespmem:s1], [sflag:$0x14], $0x80, s22, s14, $0xb8;
	[tilespmem:$0x1B500] =	vst v63  }
0x85: {  	_ =	swait.ge [sflag:s19], $0x2000  }
0x86: {  	[sflag:s19] =	ssyncset.done $0x0  }
0x87: {  	s31 =	simm.s32 $0x900;
	[sflag:s19] =	ssyncadd.s32 $0xFFFFE000  }
0x88: {  	[tilespmem:s30], [sflag:$0x9] =	stream.indirect.gather [hbm4b:s4+s14], $0x80, s31, s14, $0xb8;
	[tilespmem:$0x1B500] =	vst v63  }
0x89: {  	_ =	swait.ge [sflag:s21], $0x2000  }
0x8a: {  	[sflag:s21] =	ssyncset.done $0x0  }
0x8b: {  	s23 =	simm.s32 $0x1400;
	s25 =	simm.s32 $0x980;
	[sflag:s21] =	ssyncadd.s32 $0xFFFFE000  }
.LBB2_2:
0x8c: {  	s5 =	simm.s32 $0x15500  }
0x8d: {  	[tilespmem:s5], [sflag:$0xA] =	stream.indirect.gather [hbm4b:s4+s14], $0x80, s25, s14, $0xb8;
	[tilespmem:$0x1B500] =	vst v63  }
0x8e: {  	s0 =	simm.s32 $0x1;
	s25 =	smov.u32 s23  }
0x8f: {  	p0 =	sne.s32 s23, $0xA000;
	s23 =	sadd.s32 $0x1400, s23;
	_ =	swait.ge [sflag:s0], $0x2000  }
0x90: {  	[sflag:s0] =	ssyncset.done $0x0  }
0x91: {  	s1 =	simm.s32 $0x2;
	[sflag:s0] =	ssyncadd.s32 $0xFFFFE000;
	s0 =	simm.s32 $0x3500  }
0x92: {  	[spmem:s2] =	stream.indirect.scatter.add.f32 [tilespmem:s0], [sflag:$0xB], $0x80, s11, s14, $0xb8;
	[tilespmem:$0x1B500] =	vst v63  }
0x93: {  	_ =	swait.ge [sflag:s1], $0x2000  }
0x94: {  	[sflag:s1] =	ssyncset.done $0x0  }
0x95: {  	s16 =	simm.s32 $0x5500;
	[sflag:s1] =	ssyncadd.s32 $0xFFFFE000;
	s1 =	simm.s32 $0x3  }
0x96: {  	[spmem:s2] =	stream.indirect.scatter.add.f32 [tilespmem:s16], [sflag:$0xC], $0x80, s22, s14, $0xb8;
	[tilespmem:$0x1B500] =	vst v63  }
0x97: {  	_ =	swait.ge [sflag:s1], $0x2000  }
0x98: {  	[sflag:s1] =	ssyncset.done $0x0  }
0x99: {  	[sflag:s1] =	ssyncadd.s32 $0xFFFFE000;
	s1 =	simm.s32 $0xB  }
0x9a: {  	_ =	swait.ge [sflag:s1], $0x2000  }
0x9b: {  	s25 =	sshra.s32 s25, $0x2;
	[sflag:s1] =	ssyncset.done $0x0  }
0x9c: {  	s30 =	simm.s32 $0x3500;
	s28 =	sadd.s32 $0x500, s25;
	[sflag:s1] =	ssyncadd.s32 $0xFFFFE000  }
0x9d: {  	[tilespmem:s0], [sflag:$0x1] =	stream.indirect.gather [hbm4b:s4+s14], $0x80, s28, s14, $0xb8;
	[tilespmem:$0x1B500] =	vst v63  }
0x9e: {  	s18 =	simm.s32 $0x7500;
	s0 =	simm.s32 $0x4  }
0x9f: {  	[spmem:s2] =	stream.indirect.scatter.add.f32 [tilespmem:s18], [sflag:$0xD], $0x80, s11, s14, $0xb8;
	[tilespmem:$0x1B500] =	vst v63  }
0xa0: {  	_ =	swait.ge [sflag:s0], $0x2000  }
0xa1: {  	[sflag:s0] =	ssyncset.done $0x0  }
0xa2: {  	[sflag:s0] =	ssyncadd.s32 $0xFFFFE000;
	s0 =	simm.s32 $0xC  }
0xa3: {  	_ =	swait.ge [sflag:s0], $0x2000  }
0xa4: {  	[sflag:s0] =	ssyncset.done $0x0  }
0xa5: {  	s28 =	sadd.s32 $0x580, s25;
	[sflag:s0] =	ssyncadd.s32 $0xFFFFE000;
	s0 =	simm.s32 $0x5500  }
0xa6: {  	[tilespmem:s16], [sflag:$0x2] =	stream.indirect.gather [hbm4b:s4+s14], $0x80, s28, s14, $0xb8;
	[tilespmem:$0x1B500] =	vst v63  }
0xa7: {  	s20 =	simm.s32 $0x9500;
	s1 =	simm.s32 $0x5  }
0xa8: {  	[spmem:s2] =	stream.indirect.scatter.add.f32 [tilespmem:s20], [sflag:$0xE], $0x80, s22, s14, $0xb8;
	[tilespmem:$0x1B500] =	vst v63  }
0xa9: {  	_ =	swait.ge [sflag:s1], $0x2000  }
0xaa: {  	[sflag:s1] =	ssyncset.done $0x0  }
0xab: {  	[sflag:s1] =	ssyncadd.s32 $0xFFFFE000;
	s1 =	simm.s32 $0xD  }
0xac: {  	_ =	swait.ge [sflag:s1], $0x2000  }
0xad: {  	[sflag:s1] =	ssyncset.done $0x0  }
0xae: {  	s28 =	sadd.s32 $0x600, s25;
	s16 =	simm.s32 $0x7500;
	[sflag:s1] =	ssyncadd.s32 $0xFFFFE000  }
0xaf: {  	[tilespmem:s18], [sflag:$0x3] =	stream.indirect.gather [hbm4b:s4+s14], $0x80, s28, s14, $0xb8;
	[tilespmem:$0x1B500] =	vst v63  }
0xb0: {  	s24 =	simm.s32 $0xB500  }
0xb1: {  	[spmem:s2] =	stream.indirect.scatter.add.f32 [tilespmem:s24], [sflag:$0xF], $0x80, s11, s14, $0xb8;
	[tilespmem:$0x1B500] =	vst v63  }
0xb2: {  	_ =	swait.ge [sflag:s6], $0x2000  }
0xb3: {  	[sflag:s6] =	ssyncset.done $0x0  }
0xb4: {  	[sflag:s6] =	ssyncadd.s32 $0xFFFFE000  }
0xb5: {  	_ =	swait.ge [sflag:s7], $0x2000  }
0xb6: {  	[sflag:s7] =	ssyncset.done $0x0  }
0xb7: {  	s28 =	sadd.s32 $0x680, s25;
	s18 =	simm.s32 $0x9500;
	[sflag:s7] =	ssyncadd.s32 $0xFFFFE000  }
0xb8: {  	[tilespmem:s20], [sflag:$0x4] =	stream.indirect.gather [hbm4b:s4+s14], $0x80, s28, s14, $0xb8;
	[tilespmem:$0x1B500] =	vst v63  }
0xb9: {  	s26 =	simm.s32 $0xD500  }
0xba: {  	[spmem:s2] =	stream.indirect.scatter.add.f32 [tilespmem:s26], [sflag:$0x10], $0x80, s22, s14, $0xb8;
	[tilespmem:$0x1B500] =	vst v63  }
0xbb: {  	_ =	swait.ge [sflag:s8], $0x2000  }
0xbc: {  	[sflag:s8] =	ssyncset.done $0x0  }
0xbd: {  	[sflag:s8] =	ssyncadd.s32 $0xFFFFE000  }
0xbe: {  	_ =	swait.ge [sflag:s9], $0x2000  }
0xbf: {  	[sflag:s9] =	ssyncset.done $0x0  }
0xc0: {  	s28 =	sadd.s32 $0x700, s25;
	s20 =	simm.s32 $0xB500;
	[sflag:s9] =	ssyncadd.s32 $0xFFFFE000  }
0xc1: {  	[tilespmem:s24], [sflag:$0x5] =	stream.indirect.gather [hbm4b:s4+s14], $0x80, s28, s14, $0xb8;
	[tilespmem:$0x1B500] =	vst v63  }
0xc2: {  	s29 =	simm.s32 $0xF500  }
0xc3: {  	[spmem:s2] =	stream.indirect.scatter.add.f32 [tilespmem:s29], [sflag:$0x11], $0x80, s11, s14, $0xb8;
	[tilespmem:$0x1B500] =	vst v63  }
0xc4: {  	_ =	swait.ge [sflag:s3], $0x2000  }
0xc5: {  	[sflag:s3] =	ssyncset.done $0x0  }
0xc6: {  	[sflag:s3] =	ssyncadd.s32 $0xFFFFE000  }
0xc7: {  	_ =	swait.ge [sflag:s12], $0x2000  }
0xc8: {  	[sflag:s12] =	ssyncset.done $0x0  }
0xc9: {  	s28 =	sadd.s32 $0x780, s25;
	s24 =	simm.s32 $0xD500;
	[sflag:s12] =	ssyncadd.s32 $0xFFFFE000  }
0xca: {  	[tilespmem:s26], [sflag:$0x6] =	stream.indirect.gather [hbm4b:s4+s14], $0x80, s28, s14, $0xb8;
	[tilespmem:$0x1B500] =	vst v63  }
0xcb: {  	s31 =	simm.s32 $0x11500  }
0xcc: {  	[spmem:s2] =	stream.indirect.scatter.add.f32 [tilespmem:s31], [sflag:$0x12], $0x80, s22, s14, $0xb8;
	[tilespmem:$0x1B500] =	vst v63  }
0xcd: {  	_ =	swait.ge [sflag:s13], $0x2000  }
0xce: {  	[sflag:s13] =	ssyncset.done $0x0  }
0xcf: {  	[sflag:s13] =	ssyncadd.s32 $0xFFFFE000  }
0xd0: {  	_ =	swait.ge [sflag:s10], $0x2000  }
0xd1: {  	[sflag:s10] =	ssyncset.done $0x0  }
0xd2: {  	s28 =	sadd.s32 $0x800, s25;
	s26 =	simm.s32 $0xF500;
	[sflag:s10] =	ssyncadd.s32 $0xFFFFE000  }
0xd3: {  	[tilespmem:s29], [sflag:$0x7] =	stream.indirect.gather [hbm4b:s4+s14], $0x80, s28, s14, $0xb8;
	[tilespmem:$0x1B500] =	vst v63  }
0xd4: {  	s1 =	simm.s32 $0x13500  }
0xd5: {  	[spmem:s2] =	stream.indirect.scatter.add.f32 [tilespmem:s1], [sflag:$0x13], $0x80, s11, s14, $0xb8;
	[tilespmem:$0x1B500] =	vst v63  }
0xd6: {  	_ =	swait.ge [sflag:s15], $0x2000  }
0xd7: {  	[sflag:s15] =	ssyncset.done $0x0  }
0xd8: {  	[sflag:s15] =	ssyncadd.s32 $0xFFFFE000  }
0xd9: {  	_ =	swait.ge [sflag:s17], $0x2000  }
0xda: {  	[sflag:s17] =	ssyncset.done $0x0  }
0xdb: {  	s28 =	sadd.s32 $0x880, s25;
	s29 =	simm.s32 $0x11500;
	[sflag:s17] =	ssyncadd.s32 $0xFFFFE000  }
0xdc: {  	[tilespmem:s31], [sflag:$0x8] =	stream.indirect.gather [hbm4b:s4+s14], $0x80, s28, s14, $0xb8;
	[tilespmem:$0x1B500] =	vst v63  }
0xdd: {  	_ = 	snop  }
0xde: {  	[spmem:s2] =	stream.indirect.scatter.add.f32 [tilespmem:s5], [sflag:$0x14], $0x80, s22, s14, $0xb8;
	[tilespmem:$0x1B500] =	vst v63  }
0xdf: {  	_ =	swait.ge [sflag:s19], $0x2000  }
0xe0: {  	s28 =	sadd.s32 $0x900, s25;
	[sflag:s19] =	ssyncset.done $0x0  }
.Ltmp0:
0xe1: {  	s31 =	simm.s32 $0x13500;
	[sflag:s19] =	ssyncadd.s32 $0xFFFFE000;
	(pc) =	sbr.rel @p0 .LBB2_2-.Ltmp0, $4  }
0xe2: {  	[tilespmem:s1], [sflag:$0x9] =	stream.indirect.gather [hbm4b:s4+s14], $0x80, s28, s14, $0xb8;
	[tilespmem:$0x1B500] =	vst v63  }
0xe3: {  	_ =	swait.ge [sflag:s21], $0x2000  }
0xe4: {  	[sflag:s21] =	ssyncset.done $0x0  }
0xe5: {  	s25 =	sadd.s32 $0x980, s25;
	[sflag:s21] =	ssyncadd.s32 $0xFFFFE000  }
0xe6: {  	s1 =	simm.s32 $0x15500;
	s5 =	simm.s32 $0x1  }
0xe7: {  	[tilespmem:s1], [sflag:$0xA] =	stream.indirect.gather [hbm4b:s4+s14], $0x80, s25, s14, $0xb8;
	[tilespmem:$0x1B500] =	vst v63  }
0xe8: {  	_ =	swait.ge [sflag:s5], $0x2000  }
0xe9: {  	[sflag:s5] =	ssyncset.done $0x0  }
0xea: {  	s23 =	simm.s32 $0x2;
	[sflag:s5] =	ssyncadd.s32 $0xFFFFE000  }
0xeb: {  	[spmem:s2] =	stream.indirect.scatter.add.f32 [tilespmem:s30], [sflag:$0xB], $0x80, s11, s14, $0xb8;
	[tilespmem:$0x1B500] =	vst v63  }
0xec: {  	_ =	swait.ge [sflag:s23], $0x2000  }
0xed: {  	[sflag:s23] =	ssyncset.done $0x0  }
0xee: {  	s25 =	simm.s32 $0x3;
	[sflag:s23] =	ssyncadd.s32 $0xFFFFE000  }
0xef: {  	[spmem:s2] =	stream.indirect.scatter.add.f32 [tilespmem:s0], [sflag:$0xC], $0x80, s22, s14, $0xb8;
	[tilespmem:$0x1B500] =	vst v63  }
0xf0: {  	_ =	swait.ge [sflag:s25], $0x2000  }
0xf1: {  	[sflag:s25] =	ssyncset.done $0x0  }
0xf2: {  	s30 =	simm.s32 $0xB;
	[sflag:s25] =	ssyncadd.s32 $0xFFFFE000  }
0xf3: {  	_ =	swait.ge [sflag:s30], $0x2000  }
0xf4: {  	[sflag:s30] =	ssyncset.done $0x0  }
0xf5: {  	s5 =	simm.s32 $0x4;
	[sflag:s30] =	ssyncadd.s32 $0xFFFFE000  }
0xf6: {  	[spmem:s2] =	stream.indirect.scatter.add.f32 [tilespmem:s16], [sflag:$0xD], $0x80, s11, s14, $0xb8;
	[tilespmem:$0x1B500] =	vst v63  }
0xf7: {  	_ =	swait.ge [sflag:s5], $0x2000  }
0xf8: {  	[sflag:s5] =	ssyncset.done $0x0  }
0xf9: {  	s16 =	simm.s32 $0xC;
	[sflag:s5] =	ssyncadd.s32 $0xFFFFE000  }
0xfa: {  	_ =	swait.ge [sflag:s16], $0x2000  }
0xfb: {  	[sflag:s16] =	ssyncset.done $0x0  }
0xfc: {  	s23 =	simm.s32 $0x5;
	[sflag:s16] =	ssyncadd.s32 $0xFFFFE000  }
0xfd: {  	[spmem:s2] =	stream.indirect.scatter.add.f32 [tilespmem:s18], [sflag:$0xE], $0x80, s22, s14, $0xb8;
	[tilespmem:$0x1B500] =	vst v63  }
0xfe: {  	_ =	swait.ge [sflag:s23], $0x2000  }
0xff: {  	[sflag:s23] =	ssyncset.done $0x0  }
0x100: {  	s25 =	simm.s32 $0xD;
	[sflag:s23] =	ssyncadd.s32 $0xFFFFE000  }
0x101: {  	_ =	swait.ge [sflag:s25], $0x2000  }
0x102: {  	[sflag:s25] =	ssyncset.done $0x0  }
0x103: {  	[sflag:s25] =	ssyncadd.s32 $0xFFFFE000  }
0x104: {  	[spmem:s2] =	stream.indirect.scatter.add.f32 [tilespmem:s20], [sflag:$0xF], $0x80, s11, s14, $0xb8;
	[tilespmem:$0x1B500] =	vst v63  }
0x105: {  	_ =	swait.ge [sflag:s6], $0x2000  }
0x106: {  	[sflag:s6] =	ssyncset.done $0x0  }
0x107: {  	[sflag:s6] =	ssyncadd.s32 $0xFFFFE000  }
0x108: {  	_ =	swait.ge [sflag:s7], $0x2000  }
0x109: {  	[sflag:s7] =	ssyncset.done $0x0  }
0x10a: {  	[sflag:s7] =	ssyncadd.s32 $0xFFFFE000  }
0x10b: {  	[spmem:s2] =	stream.indirect.scatter.add.f32 [tilespmem:s24], [sflag:$0x10], $0x80, s22, s14, $0xb8;
	[tilespmem:$0x1B500] =	vst v63  }
0x10c: {  	_ =	swait.ge [sflag:s8], $0x2000  }
0x10d: {  	[sflag:s8] =	ssyncset.done $0x0  }
0x10e: {  	[sflag:s8] =	ssyncadd.s32 $0xFFFFE000  }
0x10f: {  	_ =	swait.ge [sflag:s9], $0x2000  }
0x110: {  	[sflag:s9] =	ssyncset.done $0x0  }
0x111: {  	[sflag:s9] =	ssyncadd.s32 $0xFFFFE000  }
0x112: {  	[spmem:s2] =	stream.indirect.scatter.add.f32 [tilespmem:s26], [sflag:$0x11], $0x80, s11, s14, $0xb8;
	[tilespmem:$0x1B500] =	vst v63  }
0x113: {  	_ =	swait.ge [sflag:s3], $0x2000  }
0x114: {  	[sflag:s3] =	ssyncset.done $0x0  }
0x115: {  	[sflag:s3] =	ssyncadd.s32 $0xFFFFE000  }
0x116: {  	_ =	swait.ge [sflag:s12], $0x2000  }
0x117: {  	[sflag:s12] =	ssyncset.done $0x0  }
0x118: {  	[sflag:s12] =	ssyncadd.s32 $0xFFFFE000  }
0x119: {  	[spmem:s2] =	stream.indirect.scatter.add.f32 [tilespmem:s29], [sflag:$0x12], $0x80, s22, s14, $0xb8;
	[tilespmem:$0x1B500] =	vst v63  }
0x11a: {  	_ =	swait.ge [sflag:s13], $0x2000  }
0x11b: {  	[sflag:s13] =	ssyncset.done $0x0  }
0x11c: {  	[sflag:s13] =	ssyncadd.s32 $0xFFFFE000  }
0x11d: {  	_ =	swait.ge [sflag:s10], $0x2000  }
0x11e: {  	[sflag:s10] =	ssyncset.done $0x0  }
0x11f: {  	[sflag:s10] =	ssyncadd.s32 $0xFFFFE000  }
0x120: {  	[spmem:s2] =	stream.indirect.scatter.add.f32 [tilespmem:s31], [sflag:$0x13], $0x80, s11, s14, $0xb8;
	[tilespmem:$0x1B500] =	vst v63  }
0x121: {  	_ =	swait.ge [sflag:s15], $0x2000  }
0x122: {  	[sflag:s15] =	ssyncset.done $0x0  }
0x123: {  	[sflag:s15] =	ssyncadd.s32 $0xFFFFE000  }
0x124: {  	_ =	swait.ge [sflag:s17], $0x2000  }
0x125: {  	[sflag:s17] =	ssyncset.done $0x0  }
0x126: {  	[sflag:s17] =	ssyncadd.s32 $0xFFFFE000  }
0x127: {  	[spmem:s2] =	stream.indirect.scatter.add.f32 [tilespmem:s1], [sflag:$0x14], $0x80, s22, s14, $0xb8;
	[tilespmem:$0x1B500] =	vst v63  }
0x128: {  	_ =	swait.ge [sflag:s19], $0x2000  }
0x129: {  	[sflag:s19] =	ssyncset.done $0x0  }
0x12a: {  	[sflag:s19] =	ssyncadd.s32 $0xFFFFE000  }
0x12b: {  	_ =	swait.ge [sflag:s21], $0x2000  }
0x12c: {  	s23 =	rddreg [dreg:$0x7]  }
0x12d: {  	[sflag:s21] =	ssyncset.done $0x0;
	s25 =	rddreg [dreg:$0x9]  }
0x12e: {  	s28 =	simm.s32 $0x15;
	s1 =	rddreg [dreg:$0xa];
	[sflag:s21] =	ssyncadd.s32 $0xFFFFE000  }
0x12f: {  	[hbm:s23], [sflag:s25] =	dma.local [spmem:s1], $0x800  }
0x130: {  	_ =	swait.ge [sflag:s28], $0x800  }
0x131: {  	s30 =	rddreg [dreg:$0xb]  }
0x132: {  	s31 =	rddreg [dreg:$0x8];
	s0 =	sadd.s32 $0x1, s30  }
0x133: {  	p0 =	sne.s32 s0, s31  }
.Ltmp1:
0x134: {  	_ = 	snop;
	(pc) =	sbr.rel @p0 .LBB2_1-.Ltmp1, $3  }
0x135: {  	_ =	sdelay $0x1  }
0x136: {  	[sflag:s28] =	ssyncset.done $0x0  }
0x137: {  	[sflag:s28] =	ssyncadd.s32 $0xFFFFF800  }
0x138: {  	_ =	sfence.sel $0x180000  }
0x139: {  	[bflag:$0x0] =	sbarrier.arrive $0xFFFF  }
0x13a: {  	_ =	strace $0x90000047  }
0x13b: {  	s0 =	stileid.u32;
	[bflag:$0x2] =	sbarrier.arrive $0xFFFF  }
0x13c: {  	p0 =	sne.s32 s0, $0x0;
	s0 =	rddreg [dreg:$0x3]  }
0x13d: {  	s0 =	sadd.s32 @!p0 $0x100000, s0  }
0x13e: {  	[sflag:s0] =	ssyncadd.tile.s32 @!p0 $0x1;
	_ =	shalt  }
.Lfunc_end2:
_tile_overlayer_lowered:
.L_overlay_start_2:
0x13f: {  	(tag) =	ssettag $0x2  }
0x140: {  	s0 =	rddreg [dreg:$0x0];
	s2 =	stileid.u32  }
0x141: {  	s1 =	rddreg [dreg:$0x1];
	p0 =	sne.s32 s2, $0x0  }
0x142: {  	s3 =	rddreg [dreg:$0x2];
	[bflag:$0x3] =	sbarrier.arrive $0xFFFF;
	s2 =	simm.s32 @!p0 $0x1C15  }
0x143: {  	[timem:s3], [sflag:s2] =	dma.local @!p0 [hbm:s0], s1  }
0x144: {  	s0 =	simm.s32 @!p0 $0x15  }
0x145: {  	_ =	swait.ge @!p0 [sflag:s0], s1  }
0x146: {  	s1 =	ssub.s32 @!p0 $0x0, s1;
	[sflag:s0] =	ssyncset.done @!p0 $0x0  }
0x147: {  	[sflag:s0] =	ssyncadd.s32 @!p0 s1  }
0x148: {  	[bflag:$0x3] =	sbarrier.arrive $0xFFFF  }
0x149: {  	_ =	shalt  }

</sc_bundles>
